<compile_context>
chip_gen: v7x
topology: tpu7x:2x2x1
jax: 0.10.2.dev20260603
libtpu: 0.0.44.dev20260713+nightly
codegen_flags: <defaults>
</compile_context>

<pallas_src>
import functools

import jax
import jax.numpy as jnp
from jax import lax
from jax.experimental import pallas as pl
from jax.experimental.pallas import tpu as pltpu
from jax.experimental.pallas import tpu_sc as plsc

_NC = 2
_NS = 16
_NW = _NC * _NS
_SUB = 128
_K = 5
_CH = _K * _SUB


def kernel(indices, table):
    nb, nh = indices.shape
    B = nb * nh
    D = table.shape[1]
    idx_flat = indices.reshape(B).astype(jnp.int32)

    b_per_w = B // _NW
    n_it = b_per_w // _CH
    n_pairs = n_it // 2

    mesh = plsc.VectorSubcoreMesh(core_axis_name="c", subcore_axis_name="s")

    @functools.partial(
        pl.kernel,
        mesh=mesh,
        out_type=jax.ShapeDtypeStruct((B, D), jnp.float32),
        scratch_types=[
            pltpu.VMEM((2 * _CH,), jnp.int32),
            pltpu.VMEM((_CH, D), jnp.float32),
            pltpu.VMEM((_CH, D), jnp.float32),
            pltpu.SemaphoreType.DMA,
            pltpu.SemaphoreType.DMA,
            pltpu.SemaphoreType.DMA,
            pltpu.SemaphoreType.DMA,
        ],
        compiler_params=pltpu.CompilerParams(use_tc_tiling_on_sc=False),
    )
    def gather_k(table_hbm, idx_hbm, out_hbm, idx_v, rows0, rows1,
                 g0, g1, o0, o1):
        wid = lax.axis_index("s") * _NC + lax.axis_index("c")
        base = wid * b_per_w
        rows = (rows0, rows1)
        sem_g = (g0, g1)
        sem_o = (o0, o1)

        def fire(ci, b):
            pltpu.sync_copy(idx_hbm.at[pl.ds(base + ci * _CH, _CH)],
                            idx_v.at[pl.ds(b * _CH, _CH)])
            for j in range(_K):
                pltpu.async_copy(
                    table_hbm.at[idx_v.at[pl.ds(b * _CH + j * _SUB, _SUB)]],
                    rows[b].at[pl.ds(j * _SUB, _SUB)],
                    sem_g[b],
                )

        def drain_gathers(b):
            for j in range(_K):
                pltpu.make_async_copy(
                    table_hbm.at[idx_v.at[pl.ds(b * _CH + j * _SUB, _SUB)]],
                    rows[b].at[pl.ds(j * _SUB, _SUB)],
                    sem_g[b],
                ).wait()

        def start_writeback(ci, b):
            pltpu.async_copy(
                rows[b], out_hbm.at[pl.ds(base + ci * _CH, _CH)], sem_o[b]
            )

        def wait_writeback(b):
            pltpu.make_async_copy(
                rows[b], out_hbm.at[pl.ds(base, _CH)], sem_o[b]
            ).wait()

        fire(0, 0)
        fire(1, 1)

        def pair(g, carry):
            ci = 2 * g
            drain_gathers(0)
            start_writeback(ci, 0)
            drain_gathers(1)
            start_writeback(ci + 1, 1)
            wait_writeback(0)
            fire(ci + 2, 0)
            wait_writeback(1)
            fire(ci + 3, 1)
            return carry

        lax.fori_loop(0, n_pairs - 1, pair, 0)

        ci = 2 * (n_pairs - 1)
        drain_gathers(0)
        start_writeback(ci, 0)
        drain_gathers(1)
        start_writeback(ci + 1, 1)
        wait_writeback(0)
        wait_writeback(1)

    out = gather_k(table, idx_flat)
    return out.reshape(nb, nh, D)

# --- scband reference (transcript-rebuilt; emitter-appended) ---
"""Pipeline reference for scband-task-model-25383256719450 (READ-ONLY COPY).

The authoritative reference and input builder live on the scoring server;
editing this copy changes nothing except your own understanding.
"""

import jax, jax.numpy as jnp
import numpy as np

VOCAB = 1000000
EMB_D = 64
BATCH = 16384
HIST = 50

def setup_inputs(seed: int = 0) -> dict:
    key = jax.random.key(seed)
    k_idx, k_tab = jax.random.split(key)
    indices = jax.random.randint(k_idx, (BATCH, HIST), 0, VOCAB, dtype=jnp.int64 if jax.config.jax_enable_x64 else jnp.int32)
    table = jax.random.normal(k_tab, (VOCAB, EMB_D), dtype=jnp.float32) * 0.02
    return {"indices": indices, "table": table}

def reference(indices, table):
    # Equivalent of nn.Embedding lookup: emb(indices)
    return jnp.take(table, indices, axis=0)

if __name__ == "__main__":
    import jax
    _d = setup_inputs()
    print(jax.jit(kernel)(*tuple(_d.values())))

</pallas_src>

<mosaic_0001>
#map = affine_map<(d0, d1) -> (0, 0)>
#map1 = affine_map<(d0, d1) -> (0)>
module attributes {stable_mosaic.version = 14 : i64} {
  func.func @gather_k(%arg0: i32, %arg1: i32, %arg2: memref<1000000x64xf32, #tpu.memory_space<hbm>>, %arg3: memref<819200xi32, #tpu.memory_space<hbm>>, %arg4: memref<819200x64xf32, #tpu.memory_space<hbm>>, %arg5: memref<1280xi32, #tpu.memory_space<vmem>>, %arg6: memref<640x64xf32, #tpu.memory_space<vmem>>, %arg7: memref<640x64xf32, #tpu.memory_space<vmem>>, %arg8: memref<!tpu.dma_semaphore, #tpu.memory_space<semaphore_mem>>, %arg9: memref<!tpu.dma_semaphore, #tpu.memory_space<semaphore_mem>>, %arg10: memref<!tpu.dma_semaphore, #tpu.memory_space<semaphore_mem>>, %arg11: memref<!tpu.dma_semaphore, #tpu.memory_space<semaphore_mem>>) attributes {dimension_semantics = [#tpu.dimension_semantics<core_parallel>, #tpu.dimension_semantics<subcore_parallel>], iteration_bounds = array<i64: 2, 16>, scalar_prefetch = 0 : i64, scratch_operands = 7 : i64, tpu.core_type = #tpu.core_type<sc_vector_subcore>, window_params = [{transform_indices = #map}, {transform_indices = #map1}, {transform_indices = #map}]} {
    %mul3A = arith.constant 2 : i32
    %mul3A_0 = arith.muli %arg1, %mul3A : i32
    %add3A = arith.addi %mul3A_0, %arg0 : i32
    %mul3A_1 = arith.constant 25600 : i32
    %mul3A_2 = arith.muli %add3A, %mul3A_1 : i32
    %add3A_3 = arith.constant 0 : i32
    %add3A_4 = arith.addi %mul3A_2, %add3A_3 : i32
    "tpu.region"() ({
      %run_scoped3A = tpu.sem_alloc : memref<!tpu.dma_semaphore, #tpu.memory_space<semaphore_mem>>
      %dma_start3A_190 = arith.constant 0 : i32
      %dma_start3A_191 = tpu.memref_slice %arg5[%dma_start3A_190] : memref<1280xi32, #tpu.memory_space<vmem>> -> memref<640xi32, #tpu.memory_space<vmem>>
      %dma_start3A_192 = tpu.memref_slice %arg3[%add3A_4] : memref<819200xi32, #tpu.memory_space<hbm>> -> memref<640xi32, #tpu.memory_space<hbm>>
      %dma_start3A_193 = arith.constant 0 : i32
      %dma_start3A_194 = tpu.memref_slice %arg5[%dma_start3A_193] : memref<1280xi32, #tpu.memory_space<vmem>> -> memref<640xi32, #tpu.memory_space<vmem>>
      %dma_start3A_195 = tpu.memref_slice %arg3[%add3A_4] : memref<819200xi32, #tpu.memory_space<hbm>> -> memref<640xi32, #tpu.memory_space<hbm>>
      tpu.enqueue_dma source(%dma_start3A_195 : memref<640xi32, #tpu.memory_space<hbm>>) target(%dma_start3A_194 : memref<640xi32, #tpu.memory_space<vmem>>) target_semaphore(%run_scoped3A : memref<!tpu.dma_semaphore, #tpu.memory_space<semaphore_mem>>)
      %dma_wait3A_196 = arith.constant 0 : i32
      %dma_wait3A_197 = tpu.memref_slice %arg5[%dma_wait3A_196] : memref<1280xi32, #tpu.memory_space<vmem>> -> memref<640xi32, #tpu.memory_space<vmem>>
      %dma_wait3A_198 = tpu.memref_slice %arg3[%add3A_4] : memref<819200xi32, #tpu.memory_space<hbm>> -> memref<640xi32, #tpu.memory_space<hbm>>
      %dma_wait3A_199 = arith.constant 0 : i32
      %dma_wait3A_200 = tpu.memref_slice %arg5[%dma_wait3A_199] : memref<1280xi32, #tpu.memory_space<vmem>> -> memref<640xi32, #tpu.memory_space<vmem>>
      %dma_wait3A_201 = tpu.memref_slice %arg3[%add3A_4] : memref<819200xi32, #tpu.memory_space<hbm>> -> memref<640xi32, #tpu.memory_space<hbm>>
      tpu.wait_dma2 semaphore(%run_scoped3A : memref<!tpu.dma_semaphore, #tpu.memory_space<semaphore_mem>>) src(%dma_wait3A_201 : memref<640xi32, #tpu.memory_space<hbm>>) dst(%dma_wait3A_200 : memref<640xi32, #tpu.memory_space<vmem>>)
      tpu.yield
    }) : () -> ()
    %dma_start3A = arith.constant 0 : i32
    %dma_start3A_5 = arith.constant 0 : i32
    %dma_start3A_6 = tpu.memref_slice %arg6[%dma_start3A, %dma_start3A_5] : memref<640x64xf32, #tpu.memory_space<vmem>> -> memref<128x64xf32, #tpu.memory_space<vmem>>
    %dma_start3A_7 = arith.constant 0 : i32
    %dma_start3A_8 = tpu.memref_slice %arg5[%dma_start3A_7] : memref<1280xi32, #tpu.memory_space<vmem>> -> memref<128xi32, #tpu.memory_space<vmem>>
    %dma_start3A_9 = arith.constant 0 : i32
    %dma_start3A_10 = arith.constant 0 : i32
    %dma_start3A_11 = tpu.memref_slice %arg2[%dma_start3A_9, %dma_start3A_10] : memref<1000000x64xf32, #tpu.memory_space<hbm>> -> memref<1000000x64xf32, #tpu.memory_space<hbm>>
    tpu.enqueue_indirect_dma source(%dma_start3A_11 : memref<1000000x64xf32, #tpu.memory_space<hbm>>) target(%dma_start3A_6 : memref<128x64xf32, #tpu.memory_space<vmem>>) offsets(%dma_start3A_8 : memref<128xi32, #tpu.memory_space<vmem>>) semaphore(%arg8 : memref<!tpu.dma_semaphore, #tpu.memory_space<semaphore_mem>>)
    %dma_start3A_12 = arith.constant 128 : i32
    %dma_start3A_13 = arith.constant 0 : i32
    %dma_start3A_14 = tpu.memref_slice %arg6[%dma_start3A_12, %dma_start3A_13] : memref<640x64xf32, #tpu.memory_space<vmem>> -> memref<128x64xf32, #tpu.memory_space<vmem>>
    %dma_start3A_15 = arith.constant 128 : i32
    %dma_start3A_16 = tpu.memref_slice %arg5[%dma_start3A_15] : memref<1280xi32, #tpu.memory_space<vmem>> -> memref<128xi32, #tpu.memory_space<vmem>>
    %dma_start3A_17 = arith.constant 0 : i32
    %dma_start3A_18 = arith.constant 0 : i32
    %dma_start3A_19 = tpu.memref_slice %arg2[%dma_start3A_17, %dma_start3A_18] : memref<1000000x64xf32, #tpu.memory_space<hbm>> -> memref<1000000x64xf32, #tpu.memory_space<hbm>>
    tpu.enqueue_indirect_dma source(%dma_start3A_19 : memref<1000000x64xf32, #tpu.memory_space<hbm>>) target(%dma_start3A_14 : memref<128x64xf32, #tpu.memory_space<vmem>>) offsets(%dma_start3A_16 : memref<128xi32, #tpu.memory_space<vmem>>) semaphore(%arg8 : memref<!tpu.dma_semaphore, #tpu.memory_space<semaphore_mem>>)
    %dma_start3A_20 = arith.constant 256 : i32
    %dma_start3A_21 = arith.constant 0 : i32
    %dma_start3A_22 = tpu.memref_slice %arg6[%dma_start3A_20, %dma_start3A_21] : memref<640x64xf32, #tpu.memory_space<vmem>> -> memref<128x64xf32, #tpu.memory_space<vmem>>
    %dma_start3A_23 = arith.constant 256 : i32
    %dma_start3A_24 = tpu.memref_slice %arg5[%dma_start3A_23] : memref<1280xi32, #tpu.memory_space<vmem>> -> memref<128xi32, #tpu.memory_space<vmem>>
    %dma_start3A_25 = arith.constant 0 : i32
    %dma_start3A_26 = arith.constant 0 : i32
    %dma_start3A_27 = tpu.memref_slice %arg2[%dma_start3A_25, %dma_start3A_26] : memref<1000000x64xf32, #tpu.memory_space<hbm>> -> memref<1000000x64xf32, #tpu.memory_space<hbm>>
    tpu.enqueue_indirect_dma source(%dma_start3A_27 : memref<1000000x64xf32, #tpu.memory_space<hbm>>) target(%dma_start3A_22 : memref<128x64xf32, #tpu.memory_space<vmem>>) offsets(%dma_start3A_24 : memref<128xi32, #tpu.memory_space<vmem>>) semaphore(%arg8 : memref<!tpu.dma_semaphore, #tpu.memory_space<semaphore_mem>>)
    %dma_start3A_28 = arith.constant 384 : i32
    %dma_start3A_29 = arith.constant 0 : i32
    %dma_start3A_30 = tpu.memref_slice %arg6[%dma_start3A_28, %dma_start3A_29] : memref<640x64xf32, #tpu.memory_space<vmem>> -> memref<128x64xf32, #tpu.memory_space<vmem>>
    %dma_start3A_31 = arith.constant 384 : i32
    %dma_start3A_32 = tpu.memref_slice %arg5[%dma_start3A_31] : memref<1280xi32, #tpu.memory_space<vmem>> -> memref<128xi32, #tpu.memory_space<vmem>>
    %dma_start3A_33 = arith.constant 0 : i32
    %dma_start3A_34 = arith.constant 0 : i32
    %dma_start3A_35 = tpu.memref_slice %arg2[%dma_start3A_33, %dma_start3A_34] : memref<1000000x64xf32, #tpu.memory_space<hbm>> -> memref<1000000x64xf32, #tpu.memory_space<hbm>>
    tpu.enqueue_indirect_dma source(%dma_start3A_35 : memref<1000000x64xf32, #tpu.memory_space<hbm>>) target(%dma_start3A_30 : memref<128x64xf32, #tpu.memory_space<vmem>>) offsets(%dma_start3A_32 : memref<128xi32, #tpu.memory_space<vmem>>) semaphore(%arg8 : memref<!tpu.dma_semaphore, #tpu.memory_space<semaphore_mem>>)
    %dma_start3A_36 = arith.constant 512 : i32
    %dma_start3A_37 = arith.constant 0 : i32
    %dma_start3A_38 = tpu.memref_slice %arg6[%dma_start3A_36, %dma_start3A_37] : memref<640x64xf32, #tpu.memory_space<vmem>> -> memref<128x64xf32, #tpu.memory_space<vmem>>
    %dma_start3A_39 = arith.constant 512 : i32
    %dma_start3A_40 = tpu.memref_slice %arg5[%dma_start3A_39] : memref<1280xi32, #tpu.memory_space<vmem>> -> memref<128xi32, #tpu.memory_space<vmem>>
    %dma_start3A_41 = arith.constant 0 : i32
    %dma_start3A_42 = arith.constant 0 : i32
    %dma_start3A_43 = tpu.memref_slice %arg2[%dma_start3A_41, %dma_start3A_42] : memref<1000000x64xf32, #tpu.memory_space<hbm>> -> memref<1000000x64xf32, #tpu.memory_space<hbm>>
    tpu.enqueue_indirect_dma source(%dma_start3A_43 : memref<1000000x64xf32, #tpu.memory_space<hbm>>) target(%dma_start3A_38 : memref<128x64xf32, #tpu.memory_space<vmem>>) offsets(%dma_start3A_40 : memref<128xi32, #tpu.memory_space<vmem>>) semaphore(%arg8 : memref<!tpu.dma_semaphore, #tpu.memory_space<semaphore_mem>>)
    %add3A_44 = arith.constant 640 : i32
    %add3A_45 = arith.addi %mul3A_2, %add3A_44 : i32
    "tpu.region"() ({
      %run_scoped3A = tpu.sem_alloc : memref<!tpu.dma_semaphore, #tpu.memory_space<semaphore_mem>>
      %dma_start3A_190 = arith.constant 640 : i32
      %dma_start3A_191 = tpu.memref_slice %arg5[%dma_start3A_190] : memref<1280xi32, #tpu.memory_space<vmem>> -> memref<640xi32, #tpu.memory_space<vmem>>
      %dma_start3A_192 = tpu.memref_slice %arg3[%add3A_45] : memref<819200xi32, #tpu.memory_space<hbm>> -> memref<640xi32, #tpu.memory_space<hbm>>
      %dma_start3A_193 = arith.constant 640 : i32
      %dma_start3A_194 = tpu.memref_slice %arg5[%dma_start3A_193] : memref<1280xi32, #tpu.memory_space<vmem>> -> memref<640xi32, #tpu.memory_space<vmem>>
      %dma_start3A_195 = tpu.memref_slice %arg3[%add3A_45] : memref<819200xi32, #tpu.memory_space<hbm>> -> memref<640xi32, #tpu.memory_space<hbm>>
      tpu.enqueue_dma source(%dma_start3A_195 : memref<640xi32, #tpu.memory_space<hbm>>) target(%dma_start3A_194 : memref<640xi32, #tpu.memory_space<vmem>>) target_semaphore(%run_scoped3A : memref<!tpu.dma_semaphore, #tpu.memory_space<semaphore_mem>>)
      %dma_wait3A_196 = arith.constant 640 : i32
      %dma_wait3A_197 = tpu.memref_slice %arg5[%dma_wait3A_196] : memref<1280xi32, #tpu.memory_space<vmem>> -> memref<640xi32, #tpu.memory_space<vmem>>
      %dma_wait3A_198 = tpu.memref_slice %arg3[%add3A_45] : memref<819200xi32, #tpu.memory_space<hbm>> -> memref<640xi32, #tpu.memory_space<hbm>>
      %dma_wait3A_199 = arith.constant 640 : i32
      %dma_wait3A_200 = tpu.memref_slice %arg5[%dma_wait3A_199] : memref<1280xi32, #tpu.memory_space<vmem>> -> memref<640xi32, #tpu.memory_space<vmem>>
      %dma_wait3A_201 = tpu.memref_slice %arg3[%add3A_45] : memref<819200xi32, #tpu.memory_space<hbm>> -> memref<640xi32, #tpu.memory_space<hbm>>
      tpu.wait_dma2 semaphore(%run_scoped3A : memref<!tpu.dma_semaphore, #tpu.memory_space<semaphore_mem>>) src(%dma_wait3A_201 : memref<640xi32, #tpu.memory_space<hbm>>) dst(%dma_wait3A_200 : memref<640xi32, #tpu.memory_space<vmem>>)
      tpu.yield
    }) : () -> ()
    %dma_start3A_46 = arith.constant 0 : i32
    %dma_start3A_47 = arith.constant 0 : i32
    %dma_start3A_48 = tpu.memref_slice %arg7[%dma_start3A_46, %dma_start3A_47] : memref<640x64xf32, #tpu.memory_space<vmem>> -> memref<128x64xf32, #tpu.memory_space<vmem>>
    %dma_start3A_49 = arith.constant 640 : i32
    %dma_start3A_50 = tpu.memref_slice %arg5[%dma_start3A_49] : memref<1280xi32, #tpu.memory_space<vmem>> -> memref<128xi32, #tpu.memory_space<vmem>>
    %dma_start3A_51 = arith.constant 0 : i32
    %dma_start3A_52 = arith.constant 0 : i32
    %dma_start3A_53 = tpu.memref_slice %arg2[%dma_start3A_51, %dma_start3A_52] : memref<1000000x64xf32, #tpu.memory_space<hbm>> -> memref<1000000x64xf32, #tpu.memory_space<hbm>>
    tpu.enqueue_indirect_dma source(%dma_start3A_53 : memref<1000000x64xf32, #tpu.memory_space<hbm>>) target(%dma_start3A_48 : memref<128x64xf32, #tpu.memory_space<vmem>>) offsets(%dma_start3A_50 : memref<128xi32, #tpu.memory_space<vmem>>) semaphore(%arg9 : memref<!tpu.dma_semaphore, #tpu.memory_space<semaphore_mem>>)
    %dma_start3A_54 = arith.constant 128 : i32
    %dma_start3A_55 = arith.constant 0 : i32
    %dma_start3A_56 = tpu.memref_slice %arg7[%dma_start3A_54, %dma_start3A_55] : memref<640x64xf32, #tpu.memory_space<vmem>> -> memref<128x64xf32, #tpu.memory_space<vmem>>
    %dma_start3A_57 = arith.constant 768 : i32
    %dma_start3A_58 = tpu.memref_slice %arg5[%dma_start3A_57] : memref<1280xi32, #tpu.memory_space<vmem>> -> memref<128xi32, #tpu.memory_space<vmem>>
    %dma_start3A_59 = arith.constant 0 : i32
    %dma_start3A_60 = arith.constant 0 : i32
    %dma_start3A_61 = tpu.memref_slice %arg2[%dma_start3A_59, %dma_start3A_60] : memref<1000000x64xf32, #tpu.memory_space<hbm>> -> memref<1000000x64xf32, #tpu.memory_space<hbm>>
    tpu.enqueue_indirect_dma source(%dma_start3A_61 : memref<1000000x64xf32, #tpu.memory_space<hbm>>) target(%dma_start3A_56 : memref<128x64xf32, #tpu.memory_space<vmem>>) offsets(%dma_start3A_58 : memref<128xi32, #tpu.memory_space<vmem>>) semaphore(%arg9 : memref<!tpu.dma_semaphore, #tpu.memory_space<semaphore_mem>>)
    %dma_start3A_62 = arith.constant 256 : i32
    %dma_start3A_63 = arith.constant 0 : i32
    %dma_start3A_64 = tpu.memref_slice %arg7[%dma_start3A_62, %dma_start3A_63] : memref<640x64xf32, #tpu.memory_space<vmem>> -> memref<128x64xf32, #tpu.memory_space<vmem>>
    %dma_start3A_65 = arith.constant 896 : i32
    %dma_start3A_66 = tpu.memref_slice %arg5[%dma_start3A_65] : memref<1280xi32, #tpu.memory_space<vmem>> -> memref<128xi32, #tpu.memory_space<vmem>>
    %dma_start3A_67 = arith.constant 0 : i32
    %dma_start3A_68 = arith.constant 0 : i32
    %dma_start3A_69 = tpu.memref_slice %arg2[%dma_start3A_67, %dma_start3A_68] : memref<1000000x64xf32, #tpu.memory_space<hbm>> -> memref<1000000x64xf32, #tpu.memory_space<hbm>>
    tpu.enqueue_indirect_dma source(%dma_start3A_69 : memref<1000000x64xf32, #tpu.memory_space<hbm>>) target(%dma_start3A_64 : memref<128x64xf32, #tpu.memory_space<vmem>>) offsets(%dma_start3A_66 : memref<128xi32, #tpu.memory_space<vmem>>) semaphore(%arg9 : memref<!tpu.dma_semaphore, #tpu.memory_space<semaphore_mem>>)
    %dma_start3A_70 = arith.constant 384 : i32
    %dma_start3A_71 = arith.constant 0 : i32
    %dma_start3A_72 = tpu.memref_slice %arg7[%dma_start3A_70, %dma_start3A_71] : memref<640x64xf32, #tpu.memory_space<vmem>> -> memref<128x64xf32, #tpu.memory_space<vmem>>
    %dma_start3A_73 = arith.constant 1024 : i32
    %dma_start3A_74 = tpu.memref_slice %arg5[%dma_start3A_73] : memref<1280xi32, #tpu.memory_space<vmem>> -> memref<128xi32, #tpu.memory_space<vmem>>
    %dma_start3A_75 = arith.constant 0 : i32
    %dma_start3A_76 = arith.constant 0 : i32
    %dma_start3A_77 = tpu.memref_slice %arg2[%dma_start3A_75, %dma_start3A_76] : memref<1000000x64xf32, #tpu.memory_space<hbm>> -> memref<1000000x64xf32, #tpu.memory_space<hbm>>
    tpu.enqueue_indirect_dma source(%dma_start3A_77 : memref<1000000x64xf32, #tpu.memory_space<hbm>>) target(%dma_start3A_72 : memref<128x64xf32, #tpu.memory_space<vmem>>) offsets(%dma_start3A_74 : memref<128xi32, #tpu.memory_space<vmem>>) semaphore(%arg9 : memref<!tpu.dma_semaphore, #tpu.memory_space<semaphore_mem>>)
    %dma_start3A_78 = arith.constant 512 : i32
    %dma_start3A_79 = arith.constant 0 : i32
    %dma_start3A_80 = tpu.memref_slice %arg7[%dma_start3A_78, %dma_start3A_79] : memref<640x64xf32, #tpu.memory_space<vmem>> -> memref<128x64xf32, #tpu.memory_space<vmem>>
    %dma_start3A_81 = arith.constant 1152 : i32
    %dma_start3A_82 = tpu.memref_slice %arg5[%dma_start3A_81] : memref<1280xi32, #tpu.memory_space<vmem>> -> memref<128xi32, #tpu.memory_space<vmem>>
    %dma_start3A_83 = arith.constant 0 : i32
    %dma_start3A_84 = arith.constant 0 : i32
    %dma_start3A_85 = tpu.memref_slice %arg2[%dma_start3A_83, %dma_start3A_84] : memref<1000000x64xf32, #tpu.memory_space<hbm>> -> memref<1000000x64xf32, #tpu.memory_space<hbm>>
    tpu.enqueue_indirect_dma source(%dma_start3A_85 : memref<1000000x64xf32, #tpu.memory_space<hbm>>) target(%dma_start3A_80 : memref<128x64xf32, #tpu.memory_space<vmem>>) offsets(%dma_start3A_82 : memref<128xi32, #tpu.memory_space<vmem>>) semaphore(%arg9 : memref<!tpu.dma_semaphore, #tpu.memory_space<semaphore_mem>>)
    %scan3A = arith.constant 0 : i32
    %scan3A_86 = arith.constant 0 : i32
    %scan3A_87 = arith.constant 19 : i32
    %scan3A_88 = arith.addi %scan3A_86, %scan3A_87 : i32
    %scan3A_89 = arith.constant 1 : i32
    scf.for %scan3A_190 = %scan3A_86 to %scan3A_88 step %scan3A_89  : i32 {
      %mul3A_191 = arith.constant 2 : i32
      %mul3A_192 = arith.muli %mul3A_191, %scan3A_190 : i32
      %dma_wait3A_193 = arith.constant 0 : i32
      %dma_wait3A_194 = arith.constant 0 : i32
      %dma_wait3A_195 = tpu.memref_slice %arg6[%dma_wait3A_193, %dma_wait3A_194] : memref<640x64xf32, #tpu.memory_space<vmem>> -> memref<128x64xf32, #tpu.memory_space<vmem>>
      %dma_wait3A_196 = arith.constant 0 : i32
      %dma_wait3A_197 = tpu.memref_slice %arg5[%dma_wait3A_196] : memref<1280xi32, #tpu.memory_space<vmem>> -> memref<128xi32, #tpu.memory_space<vmem>>
      %dma_wait3A_198 = arith.constant 0 : i32
      %dma_wait3A_199 = arith.constant 0 : i32
      %dma_wait3A_200 = tpu.memref_slice %arg2[%dma_wait3A_198, %dma_wait3A_199] : memref<1000000x64xf32, #tpu.memory_space<hbm>> -> memref<1000000x64xf32, #tpu.memory_space<hbm>>
      tpu.wait_indirect_dma semaphore(%arg8 : memref<!tpu.dma_semaphore, #tpu.memory_space<semaphore_mem>>) src(%dma_wait3A_200 : memref<1000000x64xf32, #tpu.memory_space<hbm>>) dst(%dma_wait3A_195 : memref<128x64xf32, #tpu.memory_space<vmem>>)
      %dma_wait3A_201 = arith.constant 128 : i32
      %dma_wait3A_202 = arith.constant 0 : i32
      %dma_wait3A_203 = tpu.memref_slice %arg6[%dma_wait3A_201, %dma_wait3A_202] : memref<640x64xf32, #tpu.memory_space<vmem>> -> memref<128x64xf32, #tpu.memory_space<vmem>>
      %dma_wait3A_204 = arith.constant 128 : i32
      %dma_wait3A_205 = tpu.memref_slice %arg5[%dma_wait3A_204] : memref<1280xi32, #tpu.memory_space<vmem>> -> memref<128xi32, #tpu.memory_space<vmem>>
      %dma_wait3A_206 = arith.constant 0 : i32
      %dma_wait3A_207 = arith.constant 0 : i32
      %dma_wait3A_208 = tpu.memref_slice %arg2[%dma_wait3A_206, %dma_wait3A_207] : memref<1000000x64xf32, #tpu.memory_space<hbm>> -> memref<1000000x64xf32, #tpu.memory_space<hbm>>
      tpu.wait_indirect_dma semaphore(%arg8 : memref<!tpu.dma_semaphore, #tpu.memory_space<semaphore_mem>>) src(%dma_wait3A_208 : memref<1000000x64xf32, #tpu.memory_space<hbm>>) dst(%dma_wait3A_203 : memref<128x64xf32, #tpu.memory_space<vmem>>)
      %dma_wait3A_209 = arith.constant 256 : i32
      %dma_wait3A_210 = arith.constant 0 : i32
      %dma_wait3A_211 = tpu.memref_slice %arg6[%dma_wait3A_209, %dma_wait3A_210] : memref<640x64xf32, #tpu.memory_space<vmem>> -> memref<128x64xf32, #tpu.memory_space<vmem>>
      %dma_wait3A_212 = arith.constant 256 : i32
      %dma_wait3A_213 = tpu.memref_slice %arg5[%dma_wait3A_212] : memref<1280xi32, #tpu.memory_space<vmem>> -> memref<128xi32, #tpu.memory_space<vmem>>
      %dma_wait3A_214 = arith.constant 0 : i32
      %dma_wait3A_215 = arith.constant 0 : i32
      %dma_wait3A_216 = tpu.memref_slice %arg2[%dma_wait3A_214, %dma_wait3A_215] : memref<1000000x64xf32, #tpu.memory_space<hbm>> -> memref<1000000x64xf32, #tpu.memory_space<hbm>>
      tpu.wait_indirect_dma semaphore(%arg8 : memref<!tpu.dma_semaphore, #tpu.memory_space<semaphore_mem>>) src(%dma_wait3A_216 : memref<1000000x64xf32, #tpu.memory_space<hbm>>) dst(%dma_wait3A_211 : memref<128x64xf32, #tpu.memory_space<vmem>>)
      %dma_wait3A_217 = arith.constant 384 : i32
      %dma_wait3A_218 = arith.constant 0 : i32
      %dma_wait3A_219 = tpu.memref_slice %arg6[%dma_wait3A_217, %dma_wait3A_218] : memref<640x64xf32, #tpu.memory_space<vmem>> -> memref<128x64xf32, #tpu.memory_space<vmem>>
      %dma_wait3A_220 = arith.constant 384 : i32
      %dma_wait3A_221 = tpu.memref_slice %arg5[%dma_wait3A_220] : memref<1280xi32, #tpu.memory_space<vmem>> -> memref<128xi32, #tpu.memory_space<vmem>>
      %dma_wait3A_222 = arith.constant 0 : i32
      %dma_wait3A_223 = arith.constant 0 : i32
      %dma_wait3A_224 = tpu.memref_slice %arg2[%dma_wait3A_222, %dma_wait3A_223] : memref<1000000x64xf32, #tpu.memory_space<hbm>> -> memref<1000000x64xf32, #tpu.memory_space<hbm>>
      tpu.wait_indirect_dma semaphore(%arg8 : memref<!tpu.dma_semaphore, #tpu.memory_space<semaphore_mem>>) src(%dma_wait3A_224 : memref<1000000x64xf32, #tpu.memory_space<hbm>>) dst(%dma_wait3A_219 : memref<128x64xf32, #tpu.memory_space<vmem>>)
      %dma_wait3A_225 = arith.constant 512 : i32
      %dma_wait3A_226 = arith.constant 0 : i32
      %dma_wait3A_227 = tpu.memref_slice %arg6[%dma_wait3A_225, %dma_wait3A_226] : memref<640x64xf32, #tpu.memory_space<vmem>> -> memref<128x64xf32, #tpu.memory_space<vmem>>
      %dma_wait3A_228 = arith.constant 512 : i32
      %dma_wait3A_229 = tpu.memref_slice %arg5[%dma_wait3A_228] : memref<1280xi32, #tpu.memory_space<vmem>> -> memref<128xi32, #tpu.memory_space<vmem>>
      %dma_wait3A_230 = arith.constant 0 : i32
      %dma_wait3A_231 = arith.constant 0 : i32
      %dma_wait3A_232 = tpu.memref_slice %arg2[%dma_wait3A_230, %dma_wait3A_231] : memref<1000000x64xf32, #tpu.memory_space<hbm>> -> memref<1000000x64xf32, #tpu.memory_space<hbm>>
      tpu.wait_indirect_dma semaphore(%arg8 : memref<!tpu.dma_semaphore, #tpu.memory_space<semaphore_mem>>) src(%dma_wait3A_232 : memref<1000000x64xf32, #tpu.memory_space<hbm>>) dst(%dma_wait3A_227 : memref<128x64xf32, #tpu.memory_space<vmem>>)
      %mul3A_233 = arith.constant 640 : i32
      %mul3A_234 = arith.muli %mul3A_192, %mul3A_233 : i32
      %add3A_235 = arith.addi %mul3A_2, %mul3A_234 : i32
      %dma_start3A_236 = arith.constant 0 : i32
      %dma_start3A_237 = tpu.memref_slice %arg4[%add3A_235, %dma_start3A_236] : memref<819200x64xf32, #tpu.memory_space<hbm>> -> memref<640x64xf32, #tpu.memory_space<hbm>>
      %dma_start3A_238 = arith.constant 0 : i32
      %dma_start3A_239 = tpu.memref_slice %arg4[%add3A_235, %dma_start3A_238] : memref<819200x64xf32, #tpu.memory_space<hbm>> -> memref<640x64xf32, #tpu.memory_space<hbm>>
      tpu.enqueue_dma source(%arg6 : memref<640x64xf32, #tpu.memory_space<vmem>>) target(%dma_start3A_239 : memref<640x64xf32, #tpu.memory_space<hbm>>) target_semaphore(%arg10 : memref<!tpu.dma_semaphore, #tpu.memory_space<semaphore_mem>>)
      %dma_wait3A_240 = arith.constant 0 : i32
      %dma_wait3A_241 = arith.constant 0 : i32
      %dma_wait3A_242 = tpu.memref_slice %arg7[%dma_wait3A_240, %dma_wait3A_241] : memref<640x64xf32, #tpu.memory_space<vmem>> -> memref<128x64xf32, #tpu.memory_space<vmem>>
      %dma_wait3A_243 = arith.constant 640 : i32
      %dma_wait3A_244 = tpu.memref_slice %arg5[%dma_wait3A_243] : memref<1280xi32, #tpu.memory_space<vmem>> -> memref<128xi32, #tpu.memory_space<vmem>>
      %dma_wait3A_245 = arith.constant 0 : i32
      %dma_wait3A_246 = arith.constant 0 : i32
      %dma_wait3A_247 = tpu.memref_slice %arg2[%dma_wait3A_245, %dma_wait3A_246] : memref<1000000x64xf32, #tpu.memory_space<hbm>> -> memref<1000000x64xf32, #tpu.memory_space<hbm>>
      tpu.wait_indirect_dma semaphore(%arg9 : memref<!tpu.dma_semaphore, #tpu.memory_space<semaphore_mem>>) src(%dma_wait3A_247 : memref<1000000x64xf32, #tpu.memory_space<hbm>>) dst(%dma_wait3A_242 : memref<128x64xf32, #tpu.memory_space<vmem>>)
      %dma_wait3A_248 = arith.constant 128 : i32
      %dma_wait3A_249 = arith.constant 0 : i32
      %dma_wait3A_250 = tpu.memref_slice %arg7[%dma_wait3A_248, %dma_wait3A_249] : memref<640x64xf32, #tpu.memory_space<vmem>> -> memref<128x64xf32, #tpu.memory_space<vmem>>
      %dma_wait3A_251 = arith.constant 768 : i32
      %dma_wait3A_252 = tpu.memref_slice %arg5[%dma_wait3A_251] : memref<1280xi32, #tpu.memory_space<vmem>> -> memref<128xi32, #tpu.memory_space<vmem>>
      %dma_wait3A_253 = arith.constant 0 : i32
      %dma_wait3A_254 = arith.constant 0 : i32
      %dma_wait3A_255 = tpu.memref_slice %arg2[%dma_wait3A_253, %dma_wait3A_254] : memref<1000000x64xf32, #tpu.memory_space<hbm>> -> memref<1000000x64xf32, #tpu.memory_space<hbm>>
      tpu.wait_indirect_dma semaphore(%arg9 : memref<!tpu.dma_semaphore, #tpu.memory_space<semaphore_mem>>) src(%dma_wait3A_255 : memref<1000000x64xf32, #tpu.memory_space<hbm>>) dst(%dma_wait3A_250 : memref<128x64xf32, #tpu.memory_space<vmem>>)
      %dma_wait3A_256 = arith.constant 256 : i32
      %dma_wait3A_257 = arith.constant 0 : i32
      %dma_wait3A_258 = tpu.memref_slice %arg7[%dma_wait3A_256, %dma_wait3A_257] : memref<640x64xf32, #tpu.memory_space<vmem>> -> memref<128x64xf32, #tpu.memory_space<vmem>>
      %dma_wait3A_259 = arith.constant 896 : i32
      %dma_wait3A_260 = tpu.memref_slice %arg5[%dma_wait3A_259] : memref<1280xi32, #tpu.memory_space<vmem>> -> memref<128xi32, #tpu.memory_space<vmem>>
      %dma_wait3A_261 = arith.constant 0 : i32
      %dma_wait3A_262 = arith.constant 0 : i32
      %dma_wait3A_263 = tpu.memref_slice %arg2[%dma_wait3A_261, %dma_wait3A_262] : memref<1000000x64xf32, #tpu.memory_space<hbm>> -> memref<1000000x64xf32, #tpu.memory_space<hbm>>
      tpu.wait_indirect_dma semaphore(%arg9 : memref<!tpu.dma_semaphore, #tpu.memory_space<semaphore_mem>>) src(%dma_wait3A_263 : memref<1000000x64xf32, #tpu.memory_space<hbm>>) dst(%dma_wait3A_258 : memref<128x64xf32, #tpu.memory_space<vmem>>)
      %dma_wait3A_264 = arith.constant 384 : i32
      %dma_wait3A_265 = arith.constant 0 : i32
      %dma_wait3A_266 = tpu.memref_slice %arg7[%dma_wait3A_264, %dma_wait3A_265] : memref<640x64xf32, #tpu.memory_space<vmem>> -> memref<128x64xf32, #tpu.memory_space<vmem>>
      %dma_wait3A_267 = arith.constant 1024 : i32
      %dma_wait3A_268 = tpu.memref_slice %arg5[%dma_wait3A_267] : memref<1280xi32, #tpu.memory_space<vmem>> -> memref<128xi32, #tpu.memory_space<vmem>>
      %dma_wait3A_269 = arith.constant 0 : i32
      %dma_wait3A_270 = arith.constant 0 : i32
      %dma_wait3A_271 = tpu.memref_slice %arg2[%dma_wait3A_269, %dma_wait3A_270] : memref<1000000x64xf32, #tpu.memory_space<hbm>> -> memref<1000000x64xf32, #tpu.memory_space<hbm>>
      tpu.wait_indirect_dma semaphore(%arg9 : memref<!tpu.dma_semaphore, #tpu.memory_space<semaphore_mem>>) src(%dma_wait3A_271 : memref<1000000x64xf32, #tpu.memory_space<hbm>>) dst(%dma_wait3A_266 : memref<128x64xf32, #tpu.memory_space<vmem>>)
      %dma_wait3A_272 = arith.constant 512 : i32
      %dma_wait3A_273 = arith.constant 0 : i32
      %dma_wait3A_274 = tpu.memref_slice %arg7[%dma_wait3A_272, %dma_wait3A_273] : memref<640x64xf32, #tpu.memory_space<vmem>> -> memref<128x64xf32, #tpu.memory_space<vmem>>
      %dma_wait3A_275 = arith.constant 1152 : i32
      %dma_wait3A_276 = tpu.memref_slice %arg5[%dma_wait3A_275] : memref<1280xi32, #tpu.memory_space<vmem>> -> memref<128xi32, #tpu.memory_space<vmem>>
      %dma_wait3A_277 = arith.constant 0 : i32
      %dma_wait3A_278 = arith.constant 0 : i32
      %dma_wait3A_279 = tpu.memref_slice %arg2[%dma_wait3A_277, %dma_wait3A_278] : memref<1000000x64xf32, #tpu.memory_space<hbm>> -> memref<1000000x64xf32, #tpu.memory_space<hbm>>
      tpu.wait_indirect_dma semaphore(%arg9 : memref<!tpu.dma_semaphore, #tpu.memory_space<semaphore_mem>>) src(%dma_wait3A_279 : memref<1000000x64xf32, #tpu.memory_space<hbm>>) dst(%dma_wait3A_274 : memref<128x64xf32, #tpu.memory_space<vmem>>)
      %add3A_280 = arith.constant 1 : i32
      %add3A_281 = arith.addi %mul3A_192, %add3A_280 : i32
      %mul3A_282 = arith.constant 640 : i32
      %mul3A_283 = arith.muli %add3A_281, %mul3A_282 : i32
      %add3A_284 = arith.addi %mul3A_2, %mul3A_283 : i32
      %dma_start3A_285 = arith.constant 0 : i32
      %dma_start3A_286 = tpu.memref_slice %arg4[%add3A_284, %dma_start3A_285] : memref<819200x64xf32, #tpu.memory_space<hbm>> -> memref<640x64xf32, #tpu.memory_space<hbm>>
      %dma_start3A_287 = arith.constant 0 : i32
      %dma_start3A_288 = tpu.memref_slice %arg4[%add3A_284, %dma_start3A_287] : memref<819200x64xf32, #tpu.memory_space<hbm>> -> memref<640x64xf32, #tpu.memory_space<hbm>>
      tpu.enqueue_dma source(%arg7 : memref<640x64xf32, #tpu.memory_space<vmem>>) target(%dma_start3A_288 : memref<640x64xf32, #tpu.memory_space<hbm>>) target_semaphore(%arg11 : memref<!tpu.dma_semaphore, #tpu.memory_space<semaphore_mem>>)
      %dma_wait3A_289 = arith.constant 0 : i32
      %dma_wait3A_290 = tpu.memref_slice %arg4[%mul3A_2, %dma_wait3A_289] : memref<819200x64xf32, #tpu.memory_space<hbm>> -> memref<640x64xf32, #tpu.memory_space<hbm>>
      %dma_wait3A_291 = arith.constant 0 : i32
      %dma_wait3A_292 = tpu.memref_slice %arg4[%mul3A_2, %dma_wait3A_291] : memref<819200x64xf32, #tpu.memory_space<hbm>> -> memref<640x64xf32, #tpu.memory_space<hbm>>
      tpu.wait_dma2 semaphore(%arg10 : memref<!tpu.dma_semaphore, #tpu.memory_space<semaphore_mem>>) src(%arg6 : memref<640x64xf32, #tpu.memory_space<vmem>>) dst(%dma_wait3A_292 : memref<640x64xf32, #tpu.memory_space<hbm>>)
      %add3A_293 = arith.constant 2 : i32
      %add3A_294 = arith.addi %mul3A_192, %add3A_293 : i32
      %mul3A_295 = arith.constant 640 : i32
      %mul3A_296 = arith.muli %add3A_294, %mul3A_295 : i32
      %add3A_297 = arith.addi %mul3A_2, %mul3A_296 : i32
      "tpu.region"() ({
        %run_scoped3A = tpu.sem_alloc : memref<!tpu.dma_semaphore, #tpu.memory_space<semaphore_mem>>
        %dma_start3A_387 = arith.constant 0 : i32
        %dma_start3A_388 = tpu.memref_slice %arg5[%dma_start3A_387] : memref<1280xi32, #tpu.memory_space<vmem>> -> memref<640xi32, #tpu.memory_space<vmem>>
        %dma_start3A_389 = tpu.memref_slice %arg3[%add3A_297] : memref<819200xi32, #tpu.memory_space<hbm>> -> memref<640xi32, #tpu.memory_space<hbm>>
        %dma_start3A_390 = arith.constant 0 : i32
        %dma_start3A_391 = tpu.memref_slice %arg5[%dma_start3A_390] : memref<1280xi32, #tpu.memory_space<vmem>> -> memref<640xi32, #tpu.memory_space<vmem>>
        %dma_start3A_392 = tpu.memref_slice %arg3[%add3A_297] : memref<819200xi32, #tpu.memory_space<hbm>> -> memref<640xi32, #tpu.memory_space<hbm>>
        tpu.enqueue_dma source(%dma_start3A_392 : memref<640xi32, #tpu.memory_space<hbm>>) target(%dma_start3A_391 : memref<640xi32, #tpu.memory_space<vmem>>) target_semaphore(%run_scoped3A : memref<!tpu.dma_semaphore, #tpu.memory_space<semaphore_mem>>)
        %dma_wait3A_393 = arith.constant 0 : i32
        %dma_wait3A_394 = tpu.memref_slice %arg5[%dma_wait3A_393] : memref<1280xi32, #tpu.memory_space<vmem>> -> memref<640xi32, #tpu.memory_space<vmem>>
        %dma_wait3A_395 = tpu.memref_slice %arg3[%add3A_297] : memref<819200xi32, #tpu.memory_space<hbm>> -> memref<640xi32, #tpu.memory_space<hbm>>
        %dma_wait3A_396 = arith.constant 0 : i32
        %dma_wait3A_397 = tpu.memref_slice %arg5[%dma_wait3A_396] : memref<1280xi32, #tpu.memory_space<vmem>> -> memref<640xi32, #tpu.memory_space<vmem>>
        %dma_wait3A_398 = tpu.memref_slice %arg3[%add3A_297] : memref<819200xi32, #tpu.memory_space<hbm>> -> memref<640xi32, #tpu.memory_space<hbm>>
        tpu.wait_dma2 semaphore(%run_scoped3A : memref<!tpu.dma_semaphore, #tpu.memory_space<semaphore_mem>>) src(%dma_wait3A_398 : memref<640xi32, #tpu.memory_space<hbm>>) dst(%dma_wait3A_397 : memref<640xi32, #tpu.memory_space<vmem>>)
        tpu.yield
      }) : () -> ()
      %dma_start3A_298 = arith.constant 0 : i32
      %dma_start3A_299 = arith.constant 0 : i32
      %dma_start3A_300 = tpu.memref_slice %arg6[%dma_start3A_298, %dma_start3A_299] : memref<640x64xf32, #tpu.memory_space<vmem>> -> memref<128x64xf32, #tpu.memory_space<vmem>>
      %dma_start3A_301 = arith.constant 0 : i32
      %dma_start3A_302 = tpu.memref_slice %arg5[%dma_start3A_301] : memref<1280xi32, #tpu.memory_space<vmem>> -> memref<128xi32, #tpu.memory_space<vmem>>
      %dma_start3A_303 = arith.constant 0 : i32
      %dma_start3A_304 = arith.constant 0 : i32
      %dma_start3A_305 = tpu.memref_slice %arg2[%dma_start3A_303, %dma_start3A_304] : memref<1000000x64xf32, #tpu.memory_space<hbm>> -> memref<1000000x64xf32, #tpu.memory_space<hbm>>
      tpu.enqueue_indirect_dma source(%dma_start3A_305 : memref<1000000x64xf32, #tpu.memory_space<hbm>>) target(%dma_start3A_300 : memref<128x64xf32, #tpu.memory_space<vmem>>) offsets(%dma_start3A_302 : memref<128xi32, #tpu.memory_space<vmem>>) semaphore(%arg8 : memref<!tpu.dma_semaphore, #tpu.memory_space<semaphore_mem>>)
      %dma_start3A_306 = arith.constant 128 : i32
      %dma_start3A_307 = arith.constant 0 : i32
      %dma_start3A_308 = tpu.memref_slice %arg6[%dma_start3A_306, %dma_start3A_307] : memref<640x64xf32, #tpu.memory_space<vmem>> -> memref<128x64xf32, #tpu.memory_space<vmem>>
      %dma_start3A_309 = arith.constant 128 : i32
      %dma_start3A_310 = tpu.memref_slice %arg5[%dma_start3A_309] : memref<1280xi32, #tpu.memory_space<vmem>> -> memref<128xi32, #tpu.memory_space<vmem>>
      %dma_start3A_311 = arith.constant 0 : i32
      %dma_start3A_312 = arith.constant 0 : i32
      %dma_start3A_313 = tpu.memref_slice %arg2[%dma_start3A_311, %dma_start3A_312] : memref<1000000x64xf32, #tpu.memory_space<hbm>> -> memref<1000000x64xf32, #tpu.memory_space<hbm>>
      tpu.enqueue_indirect_dma source(%dma_start3A_313 : memref<1000000x64xf32, #tpu.memory_space<hbm>>) target(%dma_start3A_308 : memref<128x64xf32, #tpu.memory_space<vmem>>) offsets(%dma_start3A_310 : memref<128xi32, #tpu.memory_space<vmem>>) semaphore(%arg8 : memref<!tpu.dma_semaphore, #tpu.memory_space<semaphore_mem>>)
      %dma_start3A_314 = arith.constant 256 : i32
      %dma_start3A_315 = arith.constant 0 : i32
      %dma_start3A_316 = tpu.memref_slice %arg6[%dma_start3A_314, %dma_start3A_315] : memref<640x64xf32, #tpu.memory_space<vmem>> -> memref<128x64xf32, #tpu.memory_space<vmem>>
      %dma_start3A_317 = arith.constant 256 : i32
      %dma_start3A_318 = tpu.memref_slice %arg5[%dma_start3A_317] : memref<1280xi32, #tpu.memory_space<vmem>> -> memref<128xi32, #tpu.memory_space<vmem>>
      %dma_start3A_319 = arith.constant 0 : i32
      %dma_start3A_320 = arith.constant 0 : i32
      %dma_start3A_321 = tpu.memref_slice %arg2[%dma_start3A_319, %dma_start3A_320] : memref<1000000x64xf32, #tpu.memory_space<hbm>> -> memref<1000000x64xf32, #tpu.memory_space<hbm>>
      tpu.enqueue_indirect_dma source(%dma_start3A_321 : memref<1000000x64xf32, #tpu.memory_space<hbm>>) target(%dma_start3A_316 : memref<128x64xf32, #tpu.memory_space<vmem>>) offsets(%dma_start3A_318 : memref<128xi32, #tpu.memory_space<vmem>>) semaphore(%arg8 : memref<!tpu.dma_semaphore, #tpu.memory_space<semaphore_mem>>)
      %dma_start3A_322 = arith.constant 384 : i32
      %dma_start3A_323 = arith.constant 0 : i32
      %dma_start3A_324 = tpu.memref_slice %arg6[%dma_start3A_322, %dma_start3A_323] : memref<640x64xf32, #tpu.memory_space<vmem>> -> memref<128x64xf32, #tpu.memory_space<vmem>>
      %dma_start3A_325 = arith.constant 384 : i32
      %dma_start3A_326 = tpu.memref_slice %arg5[%dma_start3A_325] : memref<1280xi32, #tpu.memory_space<vmem>> -> memref<128xi32, #tpu.memory_space<vmem>>
      %dma_start3A_327 = arith.constant 0 : i32
      %dma_start3A_328 = arith.constant 0 : i32
      %dma_start3A_329 = tpu.memref_slice %arg2[%dma_start3A_327, %dma_start3A_328] : memref<1000000x64xf32, #tpu.memory_space<hbm>> -> memref<1000000x64xf32, #tpu.memory_space<hbm>>
      tpu.enqueue_indirect_dma source(%dma_start3A_329 : memref<1000000x64xf32, #tpu.memory_space<hbm>>) target(%dma_start3A_324 : memref<128x64xf32, #tpu.memory_space<vmem>>) offsets(%dma_start3A_326 : memref<128xi32, #tpu.memory_space<vmem>>) semaphore(%arg8 : memref<!tpu.dma_semaphore, #tpu.memory_space<semaphore_mem>>)
      %dma_start3A_330 = arith.constant 512 : i32
      %dma_start3A_331 = arith.constant 0 : i32
      %dma_start3A_332 = tpu.memref_slice %arg6[%dma_start3A_330, %dma_start3A_331] : memref<640x64xf32, #tpu.memory_space<vmem>> -> memref<128x64xf32, #tpu.memory_space<vmem>>
      %dma_start3A_333 = arith.constant 512 : i32
      %dma_start3A_334 = tpu.memref_slice %arg5[%dma_start3A_333] : memref<1280xi32, #tpu.memory_space<vmem>> -> memref<128xi32, #tpu.memory_space<vmem>>
      %dma_start3A_335 = arith.constant 0 : i32
      %dma_start3A_336 = arith.constant 0 : i32
      %dma_start3A_337 = tpu.memref_slice %arg2[%dma_start3A_335, %dma_start3A_336] : memref<1000000x64xf32, #tpu.memory_space<hbm>> -> memref<1000000x64xf32, #tpu.memory_space<hbm>>
      tpu.enqueue_indirect_dma source(%dma_start3A_337 : memref<1000000x64xf32, #tpu.memory_space<hbm>>) target(%dma_start3A_332 : memref<128x64xf32, #tpu.memory_space<vmem>>) offsets(%dma_start3A_334 : memref<128xi32, #tpu.memory_space<vmem>>) semaphore(%arg8 : memref<!tpu.dma_semaphore, #tpu.memory_space<semaphore_mem>>)
      %dma_wait3A_338 = arith.constant 0 : i32
      %dma_wait3A_339 = tpu.memref_slice %arg4[%mul3A_2, %dma_wait3A_338] : memref<819200x64xf32, #tpu.memory_space<hbm>> -> memref<640x64xf32, #tpu.memory_space<hbm>>
      %dma_wait3A_340 = arith.constant 0 : i32
      %dma_wait3A_341 = tpu.memref_slice %arg4[%mul3A_2, %dma_wait3A_340] : memref<819200x64xf32, #tpu.memory_space<hbm>> -> memref<640x64xf32, #tpu.memory_space<hbm>>
      tpu.wait_dma2 semaphore(%arg11 : memref<!tpu.dma_semaphore, #tpu.memory_space<semaphore_mem>>) src(%arg7 : memref<640x64xf32, #tpu.memory_space<vmem>>) dst(%dma_wait3A_341 : memref<640x64xf32, #tpu.memory_space<hbm>>)
      %add3A_342 = arith.constant 3 : i32
      %add3A_343 = arith.addi %mul3A_192, %add3A_342 : i32
      %mul3A_344 = arith.constant 640 : i32
      %mul3A_345 = arith.muli %add3A_343, %mul3A_344 : i32
      %add3A_346 = arith.addi %mul3A_2, %mul3A_345 : i32
      "tpu.region"() ({
        %run_scoped3A = tpu.sem_alloc : memref<!tpu.dma_semaphore, #tpu.memory_space<semaphore_mem>>
        %dma_start3A_387 = arith.constant 640 : i32
        %dma_start3A_388 = tpu.memref_slice %arg5[%dma_start3A_387] : memref<1280xi32, #tpu.memory_space<vmem>> -> memref<640xi32, #tpu.memory_space<vmem>>
        %dma_start3A_389 = tpu.memref_slice %arg3[%add3A_346] : memref<819200xi32, #tpu.memory_space<hbm>> -> memref<640xi32, #tpu.memory_space<hbm>>
        %dma_start3A_390 = arith.constant 640 : i32
        %dma_start3A_391 = tpu.memref_slice %arg5[%dma_start3A_390] : memref<1280xi32, #tpu.memory_space<vmem>> -> memref<640xi32, #tpu.memory_space<vmem>>
        %dma_start3A_392 = tpu.memref_slice %arg3[%add3A_346] : memref<819200xi32, #tpu.memory_space<hbm>> -> memref<640xi32, #tpu.memory_space<hbm>>
        tpu.enqueue_dma source(%dma_start3A_392 : memref<640xi32, #tpu.memory_space<hbm>>) target(%dma_start3A_391 : memref<640xi32, #tpu.memory_space<vmem>>) target_semaphore(%run_scoped3A : memref<!tpu.dma_semaphore, #tpu.memory_space<semaphore_mem>>)
        %dma_wait3A_393 = arith.constant 640 : i32
        %dma_wait3A_394 = tpu.memref_slice %arg5[%dma_wait3A_393] : memref<1280xi32, #tpu.memory_space<vmem>> -> memref<640xi32, #tpu.memory_space<vmem>>
        %dma_wait3A_395 = tpu.memref_slice %arg3[%add3A_346] : memref<819200xi32, #tpu.memory_space<hbm>> -> memref<640xi32, #tpu.memory_space<hbm>>
        %dma_wait3A_396 = arith.constant 640 : i32
        %dma_wait3A_397 = tpu.memref_slice %arg5[%dma_wait3A_396] : memref<1280xi32, #tpu.memory_space<vmem>> -> memref<640xi32, #tpu.memory_space<vmem>>
        %dma_wait3A_398 = tpu.memref_slice %arg3[%add3A_346] : memref<819200xi32, #tpu.memory_space<hbm>> -> memref<640xi32, #tpu.memory_space<hbm>>
        tpu.wait_dma2 semaphore(%run_scoped3A : memref<!tpu.dma_semaphore, #tpu.memory_space<semaphore_mem>>) src(%dma_wait3A_398 : memref<640xi32, #tpu.memory_space<hbm>>) dst(%dma_wait3A_397 : memref<640xi32, #tpu.memory_space<vmem>>)
        tpu.yield
      }) : () -> ()
      %dma_start3A_347 = arith.constant 0 : i32
      %dma_start3A_348 = arith.constant 0 : i32
      %dma_start3A_349 = tpu.memref_slice %arg7[%dma_start3A_347, %dma_start3A_348] : memref<640x64xf32, #tpu.memory_space<vmem>> -> memref<128x64xf32, #tpu.memory_space<vmem>>
      %dma_start3A_350 = arith.constant 640 : i32
      %dma_start3A_351 = tpu.memref_slice %arg5[%dma_start3A_350] : memref<1280xi32, #tpu.memory_space<vmem>> -> memref<128xi32, #tpu.memory_space<vmem>>
      %dma_start3A_352 = arith.constant 0 : i32
      %dma_start3A_353 = arith.constant 0 : i32
      %dma_start3A_354 = tpu.memref_slice %arg2[%dma_start3A_352, %dma_start3A_353] : memref<1000000x64xf32, #tpu.memory_space<hbm>> -> memref<1000000x64xf32, #tpu.memory_space<hbm>>
      tpu.enqueue_indirect_dma source(%dma_start3A_354 : memref<1000000x64xf32, #tpu.memory_space<hbm>>) target(%dma_start3A_349 : memref<128x64xf32, #tpu.memory_space<vmem>>) offsets(%dma_start3A_351 : memref<128xi32, #tpu.memory_space<vmem>>) semaphore(%arg9 : memref<!tpu.dma_semaphore, #tpu.memory_space<semaphore_mem>>)
      %dma_start3A_355 = arith.constant 128 : i32
      %dma_start3A_356 = arith.constant 0 : i32
      %dma_start3A_357 = tpu.memref_slice %arg7[%dma_start3A_355, %dma_start3A_356] : memref<640x64xf32, #tpu.memory_space<vmem>> -> memref<128x64xf32, #tpu.memory_space<vmem>>
      %dma_start3A_358 = arith.constant 768 : i32
      %dma_start3A_359 = tpu.memref_slice %arg5[%dma_start3A_358] : memref<1280xi32, #tpu.memory_space<vmem>> -> memref<128xi32, #tpu.memory_space<vmem>>
      %dma_start3A_360 = arith.constant 0 : i32
      %dma_start3A_361 = arith.constant 0 : i32
      %dma_start3A_362 = tpu.memref_slice %arg2[%dma_start3A_360, %dma_start3A_361] : memref<1000000x64xf32, #tpu.memory_space<hbm>> -> memref<1000000x64xf32, #tpu.memory_space<hbm>>
      tpu.enqueue_indirect_dma source(%dma_start3A_362 : memref<1000000x64xf32, #tpu.memory_space<hbm>>) target(%dma_start3A_357 : memref<128x64xf32, #tpu.memory_space<vmem>>) offsets(%dma_start3A_359 : memref<128xi32, #tpu.memory_space<vmem>>) semaphore(%arg9 : memref<!tpu.dma_semaphore, #tpu.memory_space<semaphore_mem>>)
      %dma_start3A_363 = arith.constant 256 : i32
      %dma_start3A_364 = arith.constant 0 : i32
      %dma_start3A_365 = tpu.memref_slice %arg7[%dma_start3A_363, %dma_start3A_364] : memref<640x64xf32, #tpu.memory_space<vmem>> -> memref<128x64xf32, #tpu.memory_space<vmem>>
      %dma_start3A_366 = arith.constant 896 : i32
      %dma_start3A_367 = tpu.memref_slice %arg5[%dma_start3A_366] : memref<1280xi32, #tpu.memory_space<vmem>> -> memref<128xi32, #tpu.memory_space<vmem>>
      %dma_start3A_368 = arith.constant 0 : i32
      %dma_start3A_369 = arith.constant 0 : i32
      %dma_start3A_370 = tpu.memref_slice %arg2[%dma_start3A_368, %dma_start3A_369] : memref<1000000x64xf32, #tpu.memory_space<hbm>> -> memref<1000000x64xf32, #tpu.memory_space<hbm>>
      tpu.enqueue_indirect_dma source(%dma_start3A_370 : memref<1000000x64xf32, #tpu.memory_space<hbm>>) target(%dma_start3A_365 : memref<128x64xf32, #tpu.memory_space<vmem>>) offsets(%dma_start3A_367 : memref<128xi32, #tpu.memory_space<vmem>>) semaphore(%arg9 : memref<!tpu.dma_semaphore, #tpu.memory_space<semaphore_mem>>)
      %dma_start3A_371 = arith.constant 384 : i32
      %dma_start3A_372 = arith.constant 0 : i32
      %dma_start3A_373 = tpu.memref_slice %arg7[%dma_start3A_371, %dma_start3A_372] : memref<640x64xf32, #tpu.memory_space<vmem>> -> memref<128x64xf32, #tpu.memory_space<vmem>>
      %dma_start3A_374 = arith.constant 1024 : i32
      %dma_start3A_375 = tpu.memref_slice %arg5[%dma_start3A_374] : memref<1280xi32, #tpu.memory_space<vmem>> -> memref<128xi32, #tpu.memory_space<vmem>>
      %dma_start3A_376 = arith.constant 0 : i32
      %dma_start3A_377 = arith.constant 0 : i32
      %dma_start3A_378 = tpu.memref_slice %arg2[%dma_start3A_376, %dma_start3A_377] : memref<1000000x64xf32, #tpu.memory_space<hbm>> -> memref<1000000x64xf32, #tpu.memory_space<hbm>>
      tpu.enqueue_indirect_dma source(%dma_start3A_378 : memref<1000000x64xf32, #tpu.memory_space<hbm>>) target(%dma_start3A_373 : memref<128x64xf32, #tpu.memory_space<vmem>>) offsets(%dma_start3A_375 : memref<128xi32, #tpu.memory_space<vmem>>) semaphore(%arg9 : memref<!tpu.dma_semaphore, #tpu.memory_space<semaphore_mem>>)
      %dma_start3A_379 = arith.constant 512 : i32
      %dma_start3A_380 = arith.constant 0 : i32
      %dma_start3A_381 = tpu.memref_slice %arg7[%dma_start3A_379, %dma_start3A_380] : memref<640x64xf32, #tpu.memory_space<vmem>> -> memref<128x64xf32, #tpu.memory_space<vmem>>
      %dma_start3A_382 = arith.constant 1152 : i32
      %dma_start3A_383 = tpu.memref_slice %arg5[%dma_start3A_382] : memref<1280xi32, #tpu.memory_space<vmem>> -> memref<128xi32, #tpu.memory_space<vmem>>
      %dma_start3A_384 = arith.constant 0 : i32
      %dma_start3A_385 = arith.constant 0 : i32
      %dma_start3A_386 = tpu.memref_slice %arg2[%dma_start3A_384, %dma_start3A_385] : memref<1000000x64xf32, #tpu.memory_space<hbm>> -> memref<1000000x64xf32, #tpu.memory_space<hbm>>
      tpu.enqueue_indirect_dma source(%dma_start3A_386 : memref<1000000x64xf32, #tpu.memory_space<hbm>>) target(%dma_start3A_381 : memref<128x64xf32, #tpu.memory_space<vmem>>) offsets(%dma_start3A_383 : memref<128xi32, #tpu.memory_space<vmem>>) semaphore(%arg9 : memref<!tpu.dma_semaphore, #tpu.memory_space<semaphore_mem>>)
    }
    %scan3A_90 = arith.constant 19 : i32
    %dma_wait3A = arith.constant 0 : i32
    %dma_wait3A_91 = arith.constant 0 : i32
    %dma_wait3A_92 = tpu.memref_slice %arg6[%dma_wait3A, %dma_wait3A_91] : memref<640x64xf32, #tpu.memory_space<vmem>> -> memref<128x64xf32, #tpu.memory_space<vmem>>
    %dma_wait3A_93 = arith.constant 0 : i32
    %dma_wait3A_94 = tpu.memref_slice %arg5[%dma_wait3A_93] : memref<1280xi32, #tpu.memory_space<vmem>> -> memref<128xi32, #tpu.memory_space<vmem>>
    %dma_wait3A_95 = arith.constant 0 : i32
    %dma_wait3A_96 = arith.constant 0 : i32
    %dma_wait3A_97 = tpu.memref_slice %arg2[%dma_wait3A_95, %dma_wait3A_96] : memref<1000000x64xf32, #tpu.memory_space<hbm>> -> memref<1000000x64xf32, #tpu.memory_space<hbm>>
    tpu.wait_indirect_dma semaphore(%arg8 : memref<!tpu.dma_semaphore, #tpu.memory_space<semaphore_mem>>) src(%dma_wait3A_97 : memref<1000000x64xf32, #tpu.memory_space<hbm>>) dst(%dma_wait3A_92 : memref<128x64xf32, #tpu.memory_space<vmem>>)
    %dma_wait3A_98 = arith.constant 128 : i32
    %dma_wait3A_99 = arith.constant 0 : i32
    %dma_wait3A_100 = tpu.memref_slice %arg6[%dma_wait3A_98, %dma_wait3A_99] : memref<640x64xf32, #tpu.memory_space<vmem>> -> memref<128x64xf32, #tpu.memory_space<vmem>>
    %dma_wait3A_101 = arith.constant 128 : i32
    %dma_wait3A_102 = tpu.memref_slice %arg5[%dma_wait3A_101] : memref<1280xi32, #tpu.memory_space<vmem>> -> memref<128xi32, #tpu.memory_space<vmem>>
    %dma_wait3A_103 = arith.constant 0 : i32
    %dma_wait3A_104 = arith.constant 0 : i32
    %dma_wait3A_105 = tpu.memref_slice %arg2[%dma_wait3A_103, %dma_wait3A_104] : memref<1000000x64xf32, #tpu.memory_space<hbm>> -> memref<1000000x64xf32, #tpu.memory_space<hbm>>
    tpu.wait_indirect_dma semaphore(%arg8 : memref<!tpu.dma_semaphore, #tpu.memory_space<semaphore_mem>>) src(%dma_wait3A_105 : memref<1000000x64xf32, #tpu.memory_space<hbm>>) dst(%dma_wait3A_100 : memref<128x64xf32, #tpu.memory_space<vmem>>)
    %dma_wait3A_106 = arith.constant 256 : i32
    %dma_wait3A_107 = arith.constant 0 : i32
    %dma_wait3A_108 = tpu.memref_slice %arg6[%dma_wait3A_106, %dma_wait3A_107] : memref<640x64xf32, #tpu.memory_space<vmem>> -> memref<128x64xf32, #tpu.memory_space<vmem>>
    %dma_wait3A_109 = arith.constant 256 : i32
    %dma_wait3A_110 = tpu.memref_slice %arg5[%dma_wait3A_109] : memref<1280xi32, #tpu.memory_space<vmem>> -> memref<128xi32, #tpu.memory_space<vmem>>
    %dma_wait3A_111 = arith.constant 0 : i32
    %dma_wait3A_112 = arith.constant 0 : i32
    %dma_wait3A_113 = tpu.memref_slice %arg2[%dma_wait3A_111, %dma_wait3A_112] : memref<1000000x64xf32, #tpu.memory_space<hbm>> -> memref<1000000x64xf32, #tpu.memory_space<hbm>>
    tpu.wait_indirect_dma semaphore(%arg8 : memref<!tpu.dma_semaphore, #tpu.memory_space<semaphore_mem>>) src(%dma_wait3A_113 : memref<1000000x64xf32, #tpu.memory_space<hbm>>) dst(%dma_wait3A_108 : memref<128x64xf32, #tpu.memory_space<vmem>>)
    %dma_wait3A_114 = arith.constant 384 : i32
    %dma_wait3A_115 = arith.constant 0 : i32
    %dma_wait3A_116 = tpu.memref_slice %arg6[%dma_wait3A_114, %dma_wait3A_115] : memref<640x64xf32, #tpu.memory_space<vmem>> -> memref<128x64xf32, #tpu.memory_space<vmem>>
    %dma_wait3A_117 = arith.constant 384 : i32
    %dma_wait3A_118 = tpu.memref_slice %arg5[%dma_wait3A_117] : memref<1280xi32, #tpu.memory_space<vmem>> -> memref<128xi32, #tpu.memory_space<vmem>>
    %dma_wait3A_119 = arith.constant 0 : i32
    %dma_wait3A_120 = arith.constant 0 : i32
    %dma_wait3A_121 = tpu.memref_slice %arg2[%dma_wait3A_119, %dma_wait3A_120] : memref<1000000x64xf32, #tpu.memory_space<hbm>> -> memref<1000000x64xf32, #tpu.memory_space<hbm>>
    tpu.wait_indirect_dma semaphore(%arg8 : memref<!tpu.dma_semaphore, #tpu.memory_space<semaphore_mem>>) src(%dma_wait3A_121 : memref<1000000x64xf32, #tpu.memory_space<hbm>>) dst(%dma_wait3A_116 : memref<128x64xf32, #tpu.memory_space<vmem>>)
    %dma_wait3A_122 = arith.constant 512 : i32
    %dma_wait3A_123 = arith.constant 0 : i32
    %dma_wait3A_124 = tpu.memref_slice %arg6[%dma_wait3A_122, %dma_wait3A_123] : memref<640x64xf32, #tpu.memory_space<vmem>> -> memref<128x64xf32, #tpu.memory_space<vmem>>
    %dma_wait3A_125 = arith.constant 512 : i32
    %dma_wait3A_126 = tpu.memref_slice %arg5[%dma_wait3A_125] : memref<1280xi32, #tpu.memory_space<vmem>> -> memref<128xi32, #tpu.memory_space<vmem>>
    %dma_wait3A_127 = arith.constant 0 : i32
    %dma_wait3A_128 = arith.constant 0 : i32
    %dma_wait3A_129 = tpu.memref_slice %arg2[%dma_wait3A_127, %dma_wait3A_128] : memref<1000000x64xf32, #tpu.memory_space<hbm>> -> memref<1000000x64xf32, #tpu.memory_space<hbm>>
    tpu.wait_indirect_dma semaphore(%arg8 : memref<!tpu.dma_semaphore, #tpu.memory_space<semaphore_mem>>) src(%dma_wait3A_129 : memref<1000000x64xf32, #tpu.memory_space<hbm>>) dst(%dma_wait3A_124 : memref<128x64xf32, #tpu.memory_space<vmem>>)
    %add3A_130 = arith.constant 24320 : i32
    %add3A_131 = arith.addi %mul3A_2, %add3A_130 : i32
    %dma_start3A_132 = arith.constant 0 : i32
    %dma_start3A_133 = tpu.memref_slice %arg4[%add3A_131, %dma_start3A_132] : memref<819200x64xf32, #tpu.memory_space<hbm>> -> memref<640x64xf32, #tpu.memory_space<hbm>>
    %dma_start3A_134 = arith.constant 0 : i32
    %dma_start3A_135 = tpu.memref_slice %arg4[%add3A_131, %dma_start3A_134] : memref<819200x64xf32, #tpu.memory_space<hbm>> -> memref<640x64xf32, #tpu.memory_space<hbm>>
    tpu.enqueue_dma source(%arg6 : memref<640x64xf32, #tpu.memory_space<vmem>>) target(%dma_start3A_135 : memref<640x64xf32, #tpu.memory_space<hbm>>) target_semaphore(%arg10 : memref<!tpu.dma_semaphore, #tpu.memory_space<semaphore_mem>>)
    %dma_wait3A_136 = arith.constant 0 : i32
    %dma_wait3A_137 = arith.constant 0 : i32
    %dma_wait3A_138 = tpu.memref_slice %arg7[%dma_wait3A_136, %dma_wait3A_137] : memref<640x64xf32, #tpu.memory_space<vmem>> -> memref<128x64xf32, #tpu.memory_space<vmem>>
    %dma_wait3A_139 = arith.constant 640 : i32
    %dma_wait3A_140 = tpu.memref_slice %arg5[%dma_wait3A_139] : memref<1280xi32, #tpu.memory_space<vmem>> -> memref<128xi32, #tpu.memory_space<vmem>>
    %dma_wait3A_141 = arith.constant 0 : i32
    %dma_wait3A_142 = arith.constant 0 : i32
    %dma_wait3A_143 = tpu.memref_slice %arg2[%dma_wait3A_141, %dma_wait3A_142] : memref<1000000x64xf32, #tpu.memory_space<hbm>> -> memref<1000000x64xf32, #tpu.memory_space<hbm>>
    tpu.wait_indirect_dma semaphore(%arg9 : memref<!tpu.dma_semaphore, #tpu.memory_space<semaphore_mem>>) src(%dma_wait3A_143 : memref<1000000x64xf32, #tpu.memory_space<hbm>>) dst(%dma_wait3A_138 : memref<128x64xf32, #tpu.memory_space<vmem>>)
    %dma_wait3A_144 = arith.constant 128 : i32
    %dma_wait3A_145 = arith.constant 0 : i32
    %dma_wait3A_146 = tpu.memref_slice %arg7[%dma_wait3A_144, %dma_wait3A_145] : memref<640x64xf32, #tpu.memory_space<vmem>> -> memref<128x64xf32, #tpu.memory_space<vmem>>
    %dma_wait3A_147 = arith.constant 768 : i32
    %dma_wait3A_148 = tpu.memref_slice %arg5[%dma_wait3A_147] : memref<1280xi32, #tpu.memory_space<vmem>> -> memref<128xi32, #tpu.memory_space<vmem>>
    %dma_wait3A_149 = arith.constant 0 : i32
    %dma_wait3A_150 = arith.constant 0 : i32
    %dma_wait3A_151 = tpu.memref_slice %arg2[%dma_wait3A_149, %dma_wait3A_150] : memref<1000000x64xf32, #tpu.memory_space<hbm>> -> memref<1000000x64xf32, #tpu.memory_space<hbm>>
    tpu.wait_indirect_dma semaphore(%arg9 : memref<!tpu.dma_semaphore, #tpu.memory_space<semaphore_mem>>) src(%dma_wait3A_151 : memref<1000000x64xf32, #tpu.memory_space<hbm>>) dst(%dma_wait3A_146 : memref<128x64xf32, #tpu.memory_space<vmem>>)
    %dma_wait3A_152 = arith.constant 256 : i32
    %dma_wait3A_153 = arith.constant 0 : i32
    %dma_wait3A_154 = tpu.memref_slice %arg7[%dma_wait3A_152, %dma_wait3A_153] : memref<640x64xf32, #tpu.memory_space<vmem>> -> memref<128x64xf32, #tpu.memory_space<vmem>>
    %dma_wait3A_155 = arith.constant 896 : i32
    %dma_wait3A_156 = tpu.memref_slice %arg5[%dma_wait3A_155] : memref<1280xi32, #tpu.memory_space<vmem>> -> memref<128xi32, #tpu.memory_space<vmem>>
    %dma_wait3A_157 = arith.constant 0 : i32
    %dma_wait3A_158 = arith.constant 0 : i32
    %dma_wait3A_159 = tpu.memref_slice %arg2[%dma_wait3A_157, %dma_wait3A_158] : memref<1000000x64xf32, #tpu.memory_space<hbm>> -> memref<1000000x64xf32, #tpu.memory_space<hbm>>
    tpu.wait_indirect_dma semaphore(%arg9 : memref<!tpu.dma_semaphore, #tpu.memory_space<semaphore_mem>>) src(%dma_wait3A_159 : memref<1000000x64xf32, #tpu.memory_space<hbm>>) dst(%dma_wait3A_154 : memref<128x64xf32, #tpu.memory_space<vmem>>)
    %dma_wait3A_160 = arith.constant 384 : i32
    %dma_wait3A_161 = arith.constant 0 : i32
    %dma_wait3A_162 = tpu.memref_slice %arg7[%dma_wait3A_160, %dma_wait3A_161] : memref<640x64xf32, #tpu.memory_space<vmem>> -> memref<128x64xf32, #tpu.memory_space<vmem>>
    %dma_wait3A_163 = arith.constant 1024 : i32
    %dma_wait3A_164 = tpu.memref_slice %arg5[%dma_wait3A_163] : memref<1280xi32, #tpu.memory_space<vmem>> -> memref<128xi32, #tpu.memory_space<vmem>>
    %dma_wait3A_165 = arith.constant 0 : i32
    %dma_wait3A_166 = arith.constant 0 : i32
    %dma_wait3A_167 = tpu.memref_slice %arg2[%dma_wait3A_165, %dma_wait3A_166] : memref<1000000x64xf32, #tpu.memory_space<hbm>> -> memref<1000000x64xf32, #tpu.memory_space<hbm>>
    tpu.wait_indirect_dma semaphore(%arg9 : memref<!tpu.dma_semaphore, #tpu.memory_space<semaphore_mem>>) src(%dma_wait3A_167 : memref<1000000x64xf32, #tpu.memory_space<hbm>>) dst(%dma_wait3A_162 : memref<128x64xf32, #tpu.memory_space<vmem>>)
    %dma_wait3A_168 = arith.constant 512 : i32
    %dma_wait3A_169 = arith.constant 0 : i32
    %dma_wait3A_170 = tpu.memref_slice %arg7[%dma_wait3A_168, %dma_wait3A_169] : memref<640x64xf32, #tpu.memory_space<vmem>> -> memref<128x64xf32, #tpu.memory_space<vmem>>
    %dma_wait3A_171 = arith.constant 1152 : i32
    %dma_wait3A_172 = tpu.memref_slice %arg5[%dma_wait3A_171] : memref<1280xi32, #tpu.memory_space<vmem>> -> memref<128xi32, #tpu.memory_space<vmem>>
    %dma_wait3A_173 = arith.constant 0 : i32
    %dma_wait3A_174 = arith.constant 0 : i32
    %dma_wait3A_175 = tpu.memref_slice %arg2[%dma_wait3A_173, %dma_wait3A_174] : memref<1000000x64xf32, #tpu.memory_space<hbm>> -> memref<1000000x64xf32, #tpu.memory_space<hbm>>
    tpu.wait_indirect_dma semaphore(%arg9 : memref<!tpu.dma_semaphore, #tpu.memory_space<semaphore_mem>>) src(%dma_wait3A_175 : memref<1000000x64xf32, #tpu.memory_space<hbm>>) dst(%dma_wait3A_170 : memref<128x64xf32, #tpu.memory_space<vmem>>)
    %add3A_176 = arith.constant 24960 : i32
    %add3A_177 = arith.addi %mul3A_2, %add3A_176 : i32
    %dma_start3A_178 = arith.constant 0 : i32
    %dma_start3A_179 = tpu.memref_slice %arg4[%add3A_177, %dma_start3A_178] : memref<819200x64xf32, #tpu.memory_space<hbm>> -> memref<640x64xf32, #tpu.memory_space<hbm>>
    %dma_start3A_180 = arith.constant 0 : i32
    %dma_start3A_181 = tpu.memref_slice %arg4[%add3A_177, %dma_start3A_180] : memref<819200x64xf32, #tpu.memory_space<hbm>> -> memref<640x64xf32, #tpu.memory_space<hbm>>
    tpu.enqueue_dma source(%arg7 : memref<640x64xf32, #tpu.memory_space<vmem>>) target(%dma_start3A_181 : memref<640x64xf32, #tpu.memory_space<hbm>>) target_semaphore(%arg11 : memref<!tpu.dma_semaphore, #tpu.memory_space<semaphore_mem>>)
    %dma_wait3A_182 = arith.constant 0 : i32
    %dma_wait3A_183 = tpu.memref_slice %arg4[%mul3A_2, %dma_wait3A_182] : memref<819200x64xf32, #tpu.memory_space<hbm>> -> memref<640x64xf32, #tpu.memory_space<hbm>>
    %dma_wait3A_184 = arith.constant 0 : i32
    %dma_wait3A_185 = tpu.memref_slice %arg4[%mul3A_2, %dma_wait3A_184] : memref<819200x64xf32, #tpu.memory_space<hbm>> -> memref<640x64xf32, #tpu.memory_space<hbm>>
    tpu.wait_dma2 semaphore(%arg10 : memref<!tpu.dma_semaphore, #tpu.memory_space<semaphore_mem>>) src(%arg6 : memref<640x64xf32, #tpu.memory_space<vmem>>) dst(%dma_wait3A_185 : memref<640x64xf32, #tpu.memory_space<hbm>>)
    %dma_wait3A_186 = arith.constant 0 : i32
    %dma_wait3A_187 = tpu.memref_slice %arg4[%mul3A_2, %dma_wait3A_186] : memref<819200x64xf32, #tpu.memory_space<hbm>> -> memref<640x64xf32, #tpu.memory_space<hbm>>
    %dma_wait3A_188 = arith.constant 0 : i32
    %dma_wait3A_189 = tpu.memref_slice %arg4[%mul3A_2, %dma_wait3A_188] : memref<819200x64xf32, #tpu.memory_space<hbm>> -> memref<640x64xf32, #tpu.memory_space<hbm>>
    tpu.wait_dma2 semaphore(%arg11 : memref<!tpu.dma_semaphore, #tpu.memory_space<semaphore_mem>>) src(%arg7 : memref<640x64xf32, #tpu.memory_space<vmem>>) dst(%dma_wait3A_189 : memref<640x64xf32, #tpu.memory_space<hbm>>)
    return
  }
}

</mosaic_0001>

<sc_bundles>
// kernel: kernel.3.cloned.1.call-start
scs
__scs_entry_jumppad:
0x0: {  	(pc) =	sbr.rel $0x88, $3  }
0x1: {  	(tag) =	ssettag $0x0;
	lr =	simm.s32 $0x1  }
0x2: {  	[smem:$0x3F9F] =	sst lr;
	_ =	strace $0xD0000000  }
0x3: {  	_ = 	snop  }
0x4: {  	_ = 	snop  }
0x5: {  	_ = 	snop  }
0x6: {  	_ = 	snop  }
0x7: {  	_ = 	snop  }
__scs_overlays_trampoline_lowered:
0x8: {  	[smem:$0x3FAE] =	sst s0  }
0x9: {  	[smem:$0x3FAF] =	sst s1  }
0xa: {  	[smem:$0x3FB0] =	sst s2  }
0xb: {  	[smem:$0x3FB1] =	sst s3  }
0xc: {  	[smem:$0x3FB2] =	sst s4  }
0xd: {  	[smem:$0x3FB3] =	sst s5  }
0xe: {  	[smem:$0x3FB4] =	sst s6  }
0xf: {  	[smem:$0x3FB5] =	sst s7  }
0x10: {  	[smem:$0x3FB6] =	sst s8  }
0x11: {  	[smem:$0x3FB7] =	sst s9;
	s0 =	simm.s32 @!p0 $0x0  }
0x12: {  	s1 =	sld [smem:$0x3F9D];
	s0 =	simm.s32 @p0 $0x1  }
0x13: {  	[smem:$0x3FB8] =	sst s0;
	s0 =	simm.s32 @!p1 $0x0  }
0x14: {  	s2 =	sld [smem:$0x3F9C];
	s0 =	simm.s32 @p1 $0x1  }
0x15: {  	[smem:$0x3FB9] =	sst s0;
	s0 =	simm.s32 @!p2 $0x0  }
0x16: {  	s3 =	sld [smem:$0x3FDB];
	s0 =	simm.s32 @p2 $0x1  }
0x17: {  	s4 =	simm.s32 $0x1BF5;
	[smem:$0x3FBB] =	sst s0  }
0x18: {  	s0 =	sld [smem:$0x3F9E];
	_ =	swait.ge [sflag:s4], $0x0  }
0x19: {  	s7 =	sld [smem:$0x3F9F]  }
0x1a: {  	s8 =	sadd.s32 $0xFFFFE003, lr  }
0x1b: {  	s9 =	sadd.s32 $0xFFFFFEF7, lr;
	s5 =	simm.s32 $0xFFFFFFFF;
	p2 =	slt.u32 s8, $0xFFFFF086  }
0x1c: {  	p1 =	slt.u32 s9, $0xF7A;
	s5 =	simm.s32 @!p2 $0x0  }
0x1d: {  	s5 =	simm.s32 @p1 $0x1;
	p0 =	seq.s32 s7, s2  }
0x1e: {  	s7 =	smul.u32 @!p0 $0xF7A, s2;
	p2 =	seq.s32 @!p0 s5, $0x0  }
0x1f: {  	s9 =	smul.u32 $0xF7A, s1;
	s8 =	simm.s32 @!p0 $0x1BF5;
	p2 =	por !p2, p0  }
0x20: {  	[sflag:s8] =	ssyncset.s32 @!p0 $0xFFFFF086;
	s6 =	sadd.s32 @!p0 s3, s7;
	s7 =	simm.s32 @!p0 $0x108  }
0x21: {  	s3 =	sadd.s32 s3, s9;
	s6 =	sadd.s32 @!p0 $0x88, s6;
	s7 =	simm.s32 @p2 $0x1082  }
0x22: {  	[simem:s7], [sflag:s8] =	dma.local @!p0 [hbm:s6], $0xF7A  }
0x23: {  	s9 =	sor.u32 $0xD0000000, s2;
	s6 =	simm.s32 $0x108;
	_ =	swait.ge @!p0 [sflag:s8], $0x0  }
0x24: {  	s3 =	sadd.s32 $0x88, s3;
	s6 =	simm.s32 @!p1 $0x1082;
	[sflag:s4] =	ssyncset.s32 $0xFFFFF086  }
0x25: {  	[simem:s6], [sflag:s4] =	dma.local [hbm:s3], $0xF7A  }
0x26: {  	[smem:$0x3F9F] =	sst s1;
	(tag) =	ssettag s2;
	_ =	strace s9  }
0x27: {  	s1 =	sld [smem:$0x3FAF]  }
0x28: {  	s2 =	sld [smem:$0x3FB0]  }
0x29: {  	s4 =	sld [smem:$0x3FB2]  }
0x2a: {  	p0 =	seq.s32 s5, $0x0;
	s5 =	sld [smem:$0x3FB3]  }
0x2b: {  	s6 =	sld [smem:$0x3FB4]  }
0x2c: {  	s7 =	sld [smem:$0x3FB5]  }
0x2d: {  	s3 =	simm.s32 $0x108;
	s8 =	sld [smem:$0x3FB6]  }
0x2e: {  	s3 =	simm.s32 @!p0 $0x1082;
	s9 =	sld [smem:$0x3FB7]  }
0x2f: {  	lr =	sadd.s32 s0, s3;
	s0 =	sld [smem:$0x3FAE]  }
0x30: {  	s3 =	sld [smem:$0x3FB1]  }
0x31: {  	[smem:$0x3FBA] =	sst s10  }
0x32: {  	s10 =	sld [smem:$0x3FB8];
	_ =	sdelay $0x3  }
0x33: {  	p0 =	seq.s32 s10, $0x1;
	s10 =	sld [smem:$0x3FBA];
	_ =	sdelay $0x3  }
0x34: {  	[smem:$0x3FBA] =	sst s10  }
0x35: {  	s10 =	sld [smem:$0x3FB9];
	_ =	sdelay $0x3  }
0x36: {  	p1 =	seq.s32 s10, $0x1;
	s10 =	sld [smem:$0x3FBA];
	_ =	sdelay $0x3  }
0x37: {  	[smem:$0x3FBA] =	sst s10  }
0x38: {  	s10 =	sld [smem:$0x3FBB]  }
0x39: {  	_ = 	snop;
	(pc) =	sbr.ind lr, $3  }
0x3a: {  	_ = 	snop  }
0x3b: {  	_ = 	snop  }
0x3c: {  	p2 =	seq.s32 s10, $0x1;
	s10 =	sld [smem:$0x3FBA]  }
0x3d: {  	_ =	shalt  }
0x3e: {  	_ =	shalt  }
0x3f: {  	_ =	shalt  }
0x40: {  	_ =	shalt  }
0x41: {  	_ =	shalt  }
0x42: {  	_ =	shalt  }
0x43: {  	_ =	shalt  }
0x44: {  	_ =	shalt  }
0x45: {  	_ =	shalt  }
0x46: {  	_ =	shalt  }
0x47: {  	_ =	shalt  }
0x48: {  	_ =	shalt  }
0x49: {  	_ =	shalt  }
0x4a: {  	_ =	shalt  }
0x4b: {  	_ =	shalt  }
0x4c: {  	_ =	shalt  }
0x4d: {  	_ =	shalt  }
0x4e: {  	_ =	shalt  }
0x4f: {  	_ =	shalt  }
0x50: {  	_ =	shalt  }
0x51: {  	_ =	shalt  }
0x52: {  	_ =	shalt  }
0x53: {  	_ =	shalt  }
0x54: {  	_ =	shalt  }
0x55: {  	_ =	shalt  }
0x56: {  	_ =	shalt  }
0x57: {  	_ =	shalt  }
0x58: {  	_ =	shalt  }
0x59: {  	_ =	shalt  }
0x5a: {  	_ =	shalt  }
0x5b: {  	_ =	shalt  }
0x5c: {  	_ =	shalt  }
0x5d: {  	_ =	shalt  }
0x5e: {  	_ =	shalt  }
0x5f: {  	_ =	shalt  }
0x60: {  	_ =	shalt  }
0x61: {  	_ =	shalt  }
0x62: {  	_ =	shalt  }
0x63: {  	_ =	shalt  }
0x64: {  	_ =	shalt  }
0x65: {  	_ =	shalt  }
0x66: {  	_ =	shalt  }
0x67: {  	_ =	shalt  }
0x68: {  	_ =	shalt  }
0x69: {  	_ =	shalt  }
0x6a: {  	_ =	shalt  }
0x6b: {  	_ =	shalt  }
0x6c: {  	_ =	shalt  }
0x6d: {  	_ =	shalt  }
0x6e: {  	_ =	shalt  }
0x6f: {  	_ =	shalt  }
0x70: {  	_ =	shalt  }
0x71: {  	_ =	shalt  }
0x72: {  	_ =	shalt  }
0x73: {  	_ =	shalt  }
0x74: {  	_ =	shalt  }
0x75: {  	_ =	shalt  }
0x76: {  	_ =	shalt  }
0x77: {  	_ =	shalt  }
0x78: {  	_ =	shalt  }
0x79: {  	_ =	shalt  }
0x7a: {  	_ =	shalt  }
0x7b: {  	_ =	shalt  }
0x7c: {  	_ =	shalt  }
0x7d: {  	_ =	shalt  }
0x7e: {  	_ =	shalt  }
0x7f: {  	_ =	shalt  }
0x80: {  	_ =	shalt  }
0x81: {  	_ =	shalt  }
0x82: {  	_ =	shalt  }
0x83: {  	_ =	shalt  }
0x84: {  	_ =	shalt  }
0x85: {  	_ =	shalt  }
0x86: {  	_ =	shalt  }
0x87: {  	_ =	shalt  }
.Lfunc_end0:
.L_simem_size_0:
called_computation.1_lowered:
.L_overlay_start_0:
0x88: {  	s2 =	sld [smem:$0x3FD9]  }
0x89: {  	s3 =	sld [smem:$0x3FFE];
	_ =	sdelay $0x1  }
0x8a: {  	s1 =	srdreg.scid  }
0x8b: {  	s0 =	sand.u32 $0x1, s1  }
0x8c: {  	s17 =	sshll.u32 s0, $0xA;
	s2 =	sadd.s32 s3, s2  }
0x8d: {  	s2 =	sadd.s32 s2, s17  }
0x8e: {  	[smem:$0x3FC6] =	sst s2  }
0x8f: {  	_ = 	snop  }
0x90: {  	s2 =	sld [smem:$0x3FD0];
	(tm) =	ssettm $0x1  }
0x91: {  	s18 =	sld [smem:$0x3FFB];
	_ =	sdelay $0x3  }
0x92: {  	_ =	strace s18  }
0x93: {  	s3 =	sld [smem:$0x3FFC];
	_ =	sdelay $0x3  }
0x94: {  	_ =	strace s3  }
0x95: {  	s3 =	sld [smem:$0x3FFD];
	_ =	sdelay $0x3  }
0x96: {  	_ =	strace s3  }
0x97: {  	_ =	strace $0x8FFFFFFF  }
0x98: {  	s19 =	sld [smem:$0x3FDB];
	_ =	sdelay $0x1  }
0x99: {  	s4 =	simm.s32 $_scs_section_size  }
0x9a: {  	s5 =	simm.s32 $_size__tile_overlayer_lowered;
	s6 =	simm.s32 $_tile_overlayer_lowered  }
0x9b: {  	s22 =	simm.s32 $0x1BFF;
	s21 =	sshll.u32 s6, $0x1;
	s3 =	sadd.s32 s4, s19  }
0x9c: {  	s7 =	simm.s32 $0x0;
	s20 =	sshll.u32 s5, $0x1;
	s5 =	sadd.s32 s21, s3  }
0x9d: {  	[timem:s7], [sflag:s22] =	dma.local [hbm:s5], s20  }
0x9e: {  	_ =	swait.ge [sflag:s22], s20  }
0x9f: {  	s4 =	ssub.s32 $0x0, s20;
	[sflag:s22] =	ssyncset.done $0x0  }
0xa0: {  	[sflag:s22] =	ssyncadd.s32 s4;
	_ =	sdelay $0x1  }
0xa1: {  	s23 =	simm.s32 $0x1B8B  }
0xa2: {  	_ =	swait.ge [sflag:s23], $0x1  }
0xa3: {  	[sflag:s23] =	ssyncset.done $0x0  }
0xa4: {  	s25 =	simm.s32 $0x1B8E;
	s24 =	sld [smem:$0x3FFE];
	[sflag:s23] =	ssyncadd.s32 $0xFFFFFFFF  }
0xa5: {  	s26 =	simm.s32 $execute0_lowered;
	[smem:$0x3FD2] =	sst s25  }
0xa6: {  	s5 =	sshll.u32 s26, $0x1;
	_ =	strace $0x80000046;
	[dreg:$0x1] =	wrdreg $0xFFFFFFFF  }
0xa7: {  	s28 =	simm.s32 $_size_execute0_lowered;
	s3 =	sadd.s32 s3, s5;
	[dreg:$0x0] =	wrdreg $0x0  }
0xa8: {  	s5 =	sshll.u32 s28, $0x1;
	[dreg:$0x2] =	wrdreg s3  }
0xa9: {  	[dreg:$0x3] =	wrdreg s5  }
0xaa: {  	[dreg:$0x4] =	wrdreg $0xC0  }
0xab: {  	_ =	task [dreg:s7], $0x5FFFF  }
0xac: {  	[dreg:$0x1] =	wrdreg $0xFFFFFFFF  }
0xad: {  	[dreg:$0x0] =	wrdreg $0x60  }
0xae: {  	[dreg:$0x2] =	wrdreg s24  }
0xaf: {  	[dreg:$0x3] =	wrdreg s2  }
0xb0: {  	[dreg:$0x4] =	wrdreg $0x9  }
0xb1: {  	_ =	task.clear_ibuf [dreg:s7], $0x5FFFF;
	_ =	strace $0x90000046  }
0xb2: {  	s29 =	simm.s32 $0x9;
	_ =	strace $0x80000048  }
0xb3: {  	_ =	swait.ge [sflag:s29], $0x1  }
0xb4: {  	[sflag:s29] =	ssyncadd.s32 $0xFFFFFFFF  }
0xb5: {  	_ =	strace $0x90000048  }
0xb6: {  	_ =	sfence  }
0xb7: {  	s30 =	sld [smem:$0x0];
	_ =	sdelay $0x2  }
0xb8: {  	s31 =	sshll.u32 s1, $0xD;
	s1 =	sshrl.u32 s1, $0x2  }
0xb9: {  	s3 =	sand.u32 $0x4000, s31;
	s1 =	sadd.s32 s1, s30  }
0xba: {  	s0 =	sor.u32 s3, s0;
	s1 =	sshll.u32 s1, $0x11  }
0xbb: {  	s0 =	sor.u32 s1, s0  }
0xbc: {  	s0 =	sadd.s32 $0x8F2B, s0  }
0xbd: {  	[sflag:s0] =	ssyncadd.remote.s32 $0x1  }
0xbe: {  	_ =	sfence.sel $0xFFFF  }
0xbf: {  	[dreg:$0x0] =	wrdreg $0xFFFFFFFF;
	(pc) =	sbr.abs _section_cstart, $3  }
0xc0: {  	[dreg:$0x1] =	wrdreg $0xFFFFFFFF  }
0xc1: {  	_ =	task.clear_ibuf [dreg:s7], $0x2FFFF;
	_ =	strace $0x9FFFFFFF  }
0xc2: {  	(tm) =	ssettm $0x7FFFFFFF  }
0xc3: {  	_ =	shalt  }
tec
execute0_lowered:
.L_overlay_start_1:
0x0: {  	(tag) =	ssettag $0x1  }
0x1: {  	s0 =	rddreg [dreg:$0x0]  }
0x2: {  	s1 =	rddreg [dreg:$0x1];
	s2 =	simm.s32 $0x0;
	s3 =	srdreg.scid  }
0x3: {  	s10 =	stileid.u32;
	s12 =	simm.s32 $0x5;
	s13 =	simm.s32 $0x80  }
0x4: {  	s14 =	simm.s32 $0x500;
	s28 =	simm.s32 $0xE500;
	s29 =	simm.s32 $0x400  }
0x5: {  	s30 =	simm.s32 $0x10500;
	s31 =	simm.s32 $0x480;
	s9 =	smul.u32 $0xC800, s10  }
0x6: {  	[smem:$0x7FF] =	sst s2;
	s5 =	sand.u32 $0x1, s3;
	s22 =	smul.u32 $0x64000, s10  }
0x7: {  	s15 =	sshll.u32 s10, $0x1;
	s3 =	sadd.s32 $0xF42E00, s0;
	s17 =	smul.u32 $0x6400, s5  }
0x8: {  	s6 =	sor.u32 s5, s15;
	s16 =	ssub.s32 $0x2, s5;
	s5 =	smul.u32 $0x32000, s5  }
0x9: {  	s4 =	sadd.s32 $0xA00, s0;
	_ =	strace $0x80000047;
	s7 =	smul.u32 $0x6400, s6  }
0xa: {  	s15 =	simm.s32 $0x2500;
	s6 =	smul.u32 $0x190000, s6;
	s8 =	sshrl.u32 s16, $0x1  }
0xb: {  	s0 =	ssub.s32 s16, s8;
	s20 =	sadd.s32 s17, s9;
	s16 =	simm.s32 $0x100  }
0xc: {  	s17 =	simm.s32 $0x4500;
	s9 =	simm.s32 $0x0;
	s7 =	sshrl.u32 s7, $0x3  }
0xd: {  	s6 =	sshrl.u32 s6, $0x3;
	s0 =	smax.u32 s0, $0x1;
	s21 =	sshll.u32 s20, $0x3  }
0xe: {  	s23 =	sadd.s32 $0x780, s20;
	s26 =	sadd.s32 $0x500, s20;
	s20 =	simm.s32 $0x200  }
0xf: {  	s11 =	sadd.s32 s4, s7;
	s6 =	sadd.s32 s1, s6;
	[dreg:$0x9] =	wrdreg s0  }
0x10: {  	s0 =	sadd.s32 s21, s1;
	s8 =	sshrl.u32 s23, $0x3;
	[dreg:$0xb] =	wrdreg s26  }
0x11: {  	s1 =	sadd.s32 s22, s1;
	[dreg:$0x5] =	wrdreg s11;
	s18 =	sadd.s32 $0x50, s11  }
0x12: {  	s21 =	simm.s32 $0x8500;
	s19 =	sadd.s32 $0x2F800, s6;
	[dreg:$0x6] =	wrdreg s18  }
0x13: {  	s22 =	simm.s32 $0x280;
	s6 =	sadd.s32 $0x30C00, s6;
	[dreg:$0x7] =	wrdreg s19  }
0x14: {  	s23 =	simm.s32 $0xA500;
	s24 =	sadd.s32 s8, s4;
	[dreg:$0x8] =	wrdreg s6  }
0x15: {  	s26 =	simm.s32 $0x380;
	s0 =	sadd.s32 $0x1400, s0;
	[dreg:$0xa] =	wrdreg s24  }
0x16: {  	s7 =	simm.s32 $0x3;
	s25 =	sadd.s32 s5, s1;
	[dreg:$0x3] =	wrdreg s0  }
0x17: {  	s1 =	simm.s32 $0x1;
	s8 =	simm.s32 $0x4;
	[dreg:$0x4] =	wrdreg s25  }
0x18: {  	s18 =	simm.s32 $0x180;
	s19 =	simm.s32 $0x6500;
	s24 =	simm.s32 $0x300  }
0x19: {  	s25 =	simm.s32 $0xC500;
	s0 =	simm.s32 $0x12500;
	s6 =	simm.s32 $0x2  }
.LBB2_1:
0x1a: {  	[dreg:$0xc] =	wrdreg s9  }
0x1b: {  	s5 =	rddreg [dreg:$0x5]  }
0x1c: {  	[tilespmem:s2], [sflag:$0x5] =	stream.linear.gather [hbm4b:s5+s2], $0x280, $0x38;
	[tilespmem:$0x14500] =	vst v63  }
0x1d: {  	_ =	swait.ge [sflag:s12], $0x280  }
0x1e: {  	[sflag:s12] =	ssyncset.done $0x0  }
0x1f: {  	[sflag:s12] =	ssyncadd.s32 $0xFFFFFD80  }
0x20: {  	[tilespmem:s14], [sflag:$0x1] =	stream.indirect.gather [hbm4b:s3+s13], $0x40, s2, s13, $0xb8;
	[tilespmem:$0x14500] =	vst v63  }
0x21: {  	_ = 	snop  }
0x22: {  	[tilespmem:s15], [sflag:$0x1] =	stream.indirect.gather [hbm4b:s3+s13], $0x40, s13, s13, $0xb8;
	[tilespmem:$0x14500] =	vst v63  }
0x23: {  	_ = 	snop  }
0x24: {  	[tilespmem:s17], [sflag:$0x1] =	stream.indirect.gather [hbm4b:s3+s13], $0x40, s16, s13, $0xb8;
	[tilespmem:$0x14500] =	vst v63  }
0x25: {  	_ = 	snop  }
0x26: {  	[tilespmem:s19], [sflag:$0x1] =	stream.indirect.gather [hbm4b:s3+s13], $0x40, s18, s13, $0xb8;
	[tilespmem:$0x14500] =	vst v63  }
0x27: {  	_ = 	snop  }
0x28: {  	[tilespmem:s21], [sflag:$0x1] =	stream.indirect.gather [hbm4b:s3+s13], $0x40, s20, s13, $0xb8;
	[tilespmem:$0x14500] =	vst v63  }
0x29: {  	s10 =	rddreg [dreg:$0x6]  }
0x2a: {  	[tilespmem:s22], [sflag:$0x5] =	stream.linear.gather [hbm4b:s10+s2], $0x280, $0x38;
	[tilespmem:$0x14500] =	vst v63  }
0x2b: {  	_ =	swait.ge [sflag:s12], $0x280  }
0x2c: {  	[sflag:s12] =	ssyncset.done $0x0  }
0x2d: {  	[sflag:s12] =	ssyncadd.s32 $0xFFFFFD80  }
0x2e: {  	[tilespmem:s23], [sflag:$0x2] =	stream.indirect.gather [hbm4b:s3+s13], $0x40, s22, s13, $0xb8;
	[tilespmem:$0x14500] =	vst v63  }
0x2f: {  	_ = 	snop  }
0x30: {  	[tilespmem:s25], [sflag:$0x2] =	stream.indirect.gather [hbm4b:s3+s13], $0x40, s24, s13, $0xb8;
	[tilespmem:$0x14500] =	vst v63  }
0x31: {  	_ = 	snop  }
0x32: {  	[tilespmem:s28], [sflag:$0x2] =	stream.indirect.gather [hbm4b:s3+s13], $0x40, s26, s13, $0xb8;
	[tilespmem:$0x14500] =	vst v63  }
0x33: {  	_ = 	snop  }
0x34: {  	[tilespmem:s30], [sflag:$0x2] =	stream.indirect.gather [hbm4b:s3+s13], $0x40, s29, s13, $0xb8;
	[tilespmem:$0x14500] =	vst v63  }
0x35: {  	_ = 	snop  }
0x36: {  	[tilespmem:s0], [sflag:$0x2] =	stream.indirect.gather [hbm4b:s3+s13], $0x40, s31, s13, $0xb8;
	[tilespmem:$0x14500] =	vst v63  }
0x37: {  	_ =	swait.ge [sflag:s1], $0x2000  }
0x38: {  	[sflag:s1] =	ssyncset.done $0x0  }
0x39: {  	[sflag:s1] =	ssyncadd.s32 $0xFFFFE000  }
0x3a: {  	_ =	swait.ge [sflag:s1], $0x2000  }
0x3b: {  	[sflag:s1] =	ssyncset.done $0x0  }
0x3c: {  	[sflag:s1] =	ssyncadd.s32 $0xFFFFE000  }
0x3d: {  	_ =	swait.ge [sflag:s1], $0x2000  }
0x3e: {  	[sflag:s1] =	ssyncset.done $0x0  }
0x3f: {  	[sflag:s1] =	ssyncadd.s32 $0xFFFFE000  }
0x40: {  	_ =	swait.ge [sflag:s1], $0x2000  }
0x41: {  	[sflag:s1] =	ssyncset.done $0x0  }
0x42: {  	[sflag:s1] =	ssyncadd.s32 $0xFFFFE000  }
0x43: {  	_ =	swait.ge [sflag:s1], $0x2000  }
0x44: {  	s11 =	rddreg [dreg:$0x4];
	[sflag:s1] =	ssyncset.done $0x0  }
0x45: {  	[sflag:s1] =	ssyncadd.s32 $0xFFFFE000;
	s5 =	sadd.s32 $0x0, s11  }
0x46: {  	[hbm4b:s5+s2] =	stream.linear.scatter [tilespmem:s14], [sflag:$0x3], $0xA000, $0x38;
	[tilespmem:$0x14500] =	vst v63  }
0x47: {  	_ =	swait.ge [sflag:s6], $0x2000  }
0x48: {  	[sflag:s6] =	ssyncset.done $0x0  }
0x49: {  	[sflag:s6] =	ssyncadd.s32 $0xFFFFE000  }
0x4a: {  	_ =	swait.ge [sflag:s6], $0x2000  }
0x4b: {  	[sflag:s6] =	ssyncset.done $0x0  }
0x4c: {  	[sflag:s6] =	ssyncadd.s32 $0xFFFFE000  }
0x4d: {  	_ =	swait.ge [sflag:s6], $0x2000  }
0x4e: {  	[sflag:s6] =	ssyncset.done $0x0  }
0x4f: {  	[sflag:s6] =	ssyncadd.s32 $0xFFFFE000  }
0x50: {  	_ =	swait.ge [sflag:s6], $0x2000  }
0x51: {  	[sflag:s6] =	ssyncset.done $0x0  }
0x52: {  	[sflag:s6] =	ssyncadd.s32 $0xFFFFE000  }
0x53: {  	_ =	swait.ge [sflag:s6], $0x2000  }
0x54: {  	s9 =	rddreg [dreg:$0x3];
	[sflag:s6] =	ssyncset.done $0x0  }
0x55: {  	[sflag:s6] =	ssyncadd.s32 $0xFFFFE000;
	s5 =	sadd.s32 $0x0, s9  }
0x56: {  	[hbm4b:s5+s2] =	stream.linear.scatter [tilespmem:s23], [sflag:$0x4], $0xA000, $0x38;
	[tilespmem:$0x14500] =	vst v63  }
0x57: {  	_ =	swait.ge [sflag:s7], $0xA000  }
0x58: {  	s11 =	rddreg [dreg:$0xb]  }
0x59: {  	[sflag:s7] =	ssyncset.done $0x0;
	s10 =	sshrl.u32 s11, $0x3  }
0x5a: {  	[sflag:s7] =	ssyncadd.s32 $0xFFFF6000;
	s5 =	sadd.s32 s4, s10  }
0x5b: {  	[tilespmem:s2], [sflag:$0x5] =	stream.linear.gather [hbm4b:s5+s2], $0x280, $0x38;
	[tilespmem:$0x14500] =	vst v63  }
0x5c: {  	_ =	swait.ge [sflag:s12], $0x280  }
0x5d: {  	[sflag:s12] =	ssyncset.done $0x0  }
0x5e: {  	[sflag:s12] =	ssyncadd.s32 $0xFFFFFD80  }
0x5f: {  	[tilespmem:s14], [sflag:$0x1] =	stream.indirect.gather [hbm4b:s3+s13], $0x40, s2, s13, $0xb8;
	[tilespmem:$0x14500] =	vst v63  }
0x60: {  	_ = 	snop  }
0x61: {  	[tilespmem:s15], [sflag:$0x1] =	stream.indirect.gather [hbm4b:s3+s13], $0x40, s13, s13, $0xb8;
	[tilespmem:$0x14500] =	vst v63  }
0x62: {  	_ = 	snop  }
0x63: {  	[tilespmem:s17], [sflag:$0x1] =	stream.indirect.gather [hbm4b:s3+s13], $0x40, s16, s13, $0xb8;
	[tilespmem:$0x14500] =	vst v63  }
0x64: {  	_ = 	snop  }
0x65: {  	[tilespmem:s19], [sflag:$0x1] =	stream.indirect.gather [hbm4b:s3+s13], $0x40, s18, s13, $0xb8;
	[tilespmem:$0x14500] =	vst v63  }
0x66: {  	_ = 	snop  }
0x67: {  	[tilespmem:s21], [sflag:$0x1] =	stream.indirect.gather [hbm4b:s3+s13], $0x40, s20, s13, $0xb8;
	[tilespmem:$0x14500] =	vst v63  }
0x68: {  	_ =	swait.ge [sflag:s8], $0xA000  }
0x69: {  	[sflag:s8] =	ssyncset.done $0x0  }
0x6a: {  	s15 =	rddreg [dreg:$0xa];
	[sflag:s8] =	ssyncadd.s32 $0xFFFF6000  }
0x6b: {  	[tilespmem:s22], [sflag:$0x5] =	stream.linear.gather [hbm4b:s15+s2], $0x280, $0x38;
	[tilespmem:$0x14500] =	vst v63  }
0x6c: {  	_ =	swait.ge [sflag:s12], $0x280  }
0x6d: {  	[sflag:s12] =	ssyncset.done $0x0  }
0x6e: {  	[sflag:s12] =	ssyncadd.s32 $0xFFFFFD80  }
0x6f: {  	[tilespmem:s23], [sflag:$0x2] =	stream.indirect.gather [hbm4b:s3+s13], $0x40, s22, s13, $0xb8;
	[tilespmem:$0x14500] =	vst v63  }
0x70: {  	_ = 	snop  }
0x71: {  	[tilespmem:s25], [sflag:$0x2] =	stream.indirect.gather [hbm4b:s3+s13], $0x40, s24, s13, $0xb8;
	[tilespmem:$0x14500] =	vst v63  }
0x72: {  	_ = 	snop  }
0x73: {  	[tilespmem:s28], [sflag:$0x2] =	stream.indirect.gather [hbm4b:s3+s13], $0x40, s26, s13, $0xb8;
	[tilespmem:$0x14500] =	vst v63  }
0x74: {  	s11 =	sadd.s32 $0x500, s11;
	s5 =	simm.s32 $0x2800;
	s10 =	sadd.s32 $0xA0, s15  }
0x75: {  	[tilespmem:s30], [sflag:$0x2] =	stream.indirect.gather [hbm4b:s3+s13], $0x40, s29, s13, $0xb8;
	[tilespmem:$0x14500] =	vst v63  }
.LBB2_2:
0x76: {  	[tilespmem:s0], [sflag:$0x2] =	stream.indirect.gather [hbm4b:s3+s13], $0x40, s31, s13, $0xb8;
	[tilespmem:$0x14500] =	vst v63  }
0x77: {  	_ =	swait.ge [sflag:s1], $0x2000  }
0x78: {  	[sflag:s1] =	ssyncset.done $0x0  }
0x79: {  	[sflag:s1] =	ssyncadd.s32 $0xFFFFE000  }
0x7a: {  	_ =	swait.ge [sflag:s1], $0x2000  }
0x7b: {  	[sflag:s1] =	ssyncset.done $0x0  }
0x7c: {  	[sflag:s1] =	ssyncadd.s32 $0xFFFFE000  }
0x7d: {  	_ =	swait.ge [sflag:s1], $0x2000  }
0x7e: {  	[sflag:s1] =	ssyncset.done $0x0  }
0x7f: {  	[sflag:s1] =	ssyncadd.s32 $0xFFFFE000  }
0x80: {  	_ =	swait.ge [sflag:s1], $0x2000  }
0x81: {  	[sflag:s1] =	ssyncset.done $0x0  }
0x82: {  	[sflag:s1] =	ssyncadd.s32 $0xFFFFE000  }
0x83: {  	_ =	swait.ge [sflag:s1], $0x2000  }
0x84: {  	s9 =	smov.u32 s5;
	s15 =	rddreg [dreg:$0x4];
	[sflag:s1] =	ssyncset.done $0x0  }
0x85: {  	[sflag:s1] =	ssyncadd.s32 $0xFFFFE000;
	s15 =	sadd.s32 s9, s15  }
0x86: {  	[hbm4b:s15+s2] =	stream.linear.scatter [tilespmem:s14], [sflag:$0x3], $0xA000, $0x38;
	[tilespmem:$0x14500] =	vst v63  }
0x87: {  	_ =	swait.ge [sflag:s6], $0x2000  }
0x88: {  	[sflag:s6] =	ssyncset.done $0x0  }
0x89: {  	[sflag:s6] =	ssyncadd.s32 $0xFFFFE000  }
0x8a: {  	_ =	swait.ge [sflag:s6], $0x2000  }
0x8b: {  	[sflag:s6] =	ssyncset.done $0x0  }
0x8c: {  	[sflag:s6] =	ssyncadd.s32 $0xFFFFE000  }
0x8d: {  	_ =	swait.ge [sflag:s6], $0x2000  }
0x8e: {  	[sflag:s6] =	ssyncset.done $0x0  }
0x8f: {  	[sflag:s6] =	ssyncadd.s32 $0xFFFFE000  }
0x90: {  	_ =	swait.ge [sflag:s6], $0x2000  }
0x91: {  	[sflag:s6] =	ssyncset.done $0x0  }
0x92: {  	[sflag:s6] =	ssyncadd.s32 $0xFFFFE000  }
0x93: {  	_ =	swait.ge [sflag:s6], $0x2000  }
0x94: {  	s15 =	rddreg [dreg:$0x3];
	[sflag:s6] =	ssyncset.done $0x0  }
0x95: {  	[sflag:s6] =	ssyncadd.s32 $0xFFFFE000;
	s9 =	sadd.s32 s9, s15  }
0x96: {  	[hbm4b:s9+s2] =	stream.linear.scatter [tilespmem:s23], [sflag:$0x4], $0xA000, $0x38;
	[tilespmem:$0x14500] =	vst v63  }
0x97: {  	_ =	swait.ge [sflag:s7], $0xA000  }
0x98: {  	s9 =	sshrl.u32 s11, $0x3;
	[sflag:s7] =	ssyncset.done $0x0  }
0x99: {  	s9 =	sadd.s32 s4, s9;
	[sflag:s7] =	ssyncadd.s32 $0xFFFF6000  }
0x9a: {  	[tilespmem:s2], [sflag:$0x5] =	stream.linear.gather [hbm4b:s9+s2], $0x280, $0x38;
	[tilespmem:$0x14500] =	vst v63  }
0x9b: {  	_ =	swait.ge [sflag:s12], $0x280  }
0x9c: {  	[sflag:s12] =	ssyncset.done $0x0  }
0x9d: {  	[sflag:s12] =	ssyncadd.s32 $0xFFFFFD80  }
0x9e: {  	[tilespmem:s14], [sflag:$0x1] =	stream.indirect.gather [hbm4b:s3+s13], $0x40, s2, s13, $0xb8;
	[tilespmem:$0x14500] =	vst v63  }
0x9f: {  	s15 =	simm.s32 $0x2500  }
0xa0: {  	[tilespmem:s15], [sflag:$0x1] =	stream.indirect.gather [hbm4b:s3+s13], $0x40, s13, s13, $0xb8;
	[tilespmem:$0x14500] =	vst v63  }
0xa1: {  	_ = 	snop  }
0xa2: {  	[tilespmem:s17], [sflag:$0x1] =	stream.indirect.gather [hbm4b:s3+s13], $0x40, s16, s13, $0xb8;
	[tilespmem:$0x14500] =	vst v63  }
0xa3: {  	_ = 	snop  }
0xa4: {  	[tilespmem:s19], [sflag:$0x1] =	stream.indirect.gather [hbm4b:s3+s13], $0x40, s18, s13, $0xb8;
	[tilespmem:$0x14500] =	vst v63  }
0xa5: {  	_ = 	snop  }
0xa6: {  	[tilespmem:s21], [sflag:$0x1] =	stream.indirect.gather [hbm4b:s3+s13], $0x40, s20, s13, $0xb8;
	[tilespmem:$0x14500] =	vst v63  }
0xa7: {  	_ =	swait.ge [sflag:s8], $0xA000  }
0xa8: {  	[sflag:s8] =	ssyncset.done $0x0  }
0xa9: {  	[sflag:s8] =	ssyncadd.s32 $0xFFFF6000  }
0xaa: {  	[tilespmem:s22], [sflag:$0x5] =	stream.linear.gather [hbm4b:s10+s2], $0x280, $0x38;
	[tilespmem:$0x14500] =	vst v63  }
0xab: {  	_ =	swait.ge [sflag:s12], $0x280  }
0xac: {  	[sflag:s12] =	ssyncset.done $0x0  }
0xad: {  	[sflag:s12] =	ssyncadd.s32 $0xFFFFFD80  }
0xae: {  	[tilespmem:s23], [sflag:$0x2] =	stream.indirect.gather [hbm4b:s3+s13], $0x40, s22, s13, $0xb8;
	[tilespmem:$0x14500] =	vst v63  }
0xaf: {  	p0 =	sne.s32 s5, $0x2D000  }
0xb0: {  	[tilespmem:s25], [sflag:$0x2] =	stream.indirect.gather [hbm4b:s3+s13], $0x40, s24, s13, $0xb8;
	[tilespmem:$0x14500] =	vst v63  }
.Ltmp0:
0xb1: {  	_ = 	snop;
	(pc) =	sbr.rel @p0 .LBB2_2-.Ltmp0, $4  }
0xb2: {  	_ = 	snop  }
0xb3: {  	[tilespmem:s28], [sflag:$0x2] =	stream.indirect.gather [hbm4b:s3+s13], $0x40, s26, s13, $0xb8;
	[tilespmem:$0x14500] =	vst v63  }
0xb4: {  	s5 =	sadd.s32 $0x2800, s5;
	s11 =	sadd.s32 $0x500, s11;
	s10 =	sadd.s32 $0xA0, s10  }
0xb5: {  	[tilespmem:s30], [sflag:$0x2] =	stream.indirect.gather [hbm4b:s3+s13], $0x40, s29, s13, $0xb8;
	[tilespmem:$0x14500] =	vst v63  }
0xb6: {  	[tilespmem:s0], [sflag:$0x2] =	stream.indirect.gather [hbm4b:s3+s13], $0x40, s31, s13, $0xb8;
	[tilespmem:$0x14500] =	vst v63  }
0xb7: {  	_ =	swait.ge [sflag:s1], $0x2000  }
0xb8: {  	[sflag:s1] =	ssyncset.done $0x0  }
0xb9: {  	[sflag:s1] =	ssyncadd.s32 $0xFFFFE000  }
0xba: {  	_ =	swait.ge [sflag:s1], $0x2000  }
0xbb: {  	[sflag:s1] =	ssyncset.done $0x0  }
0xbc: {  	[sflag:s1] =	ssyncadd.s32 $0xFFFFE000  }
0xbd: {  	_ =	swait.ge [sflag:s1], $0x2000  }
0xbe: {  	[sflag:s1] =	ssyncset.done $0x0  }
0xbf: {  	[sflag:s1] =	ssyncadd.s32 $0xFFFFE000  }
0xc0: {  	_ =	swait.ge [sflag:s1], $0x2000  }
0xc1: {  	[sflag:s1] =	ssyncset.done $0x0  }
0xc2: {  	[sflag:s1] =	ssyncadd.s32 $0xFFFFE000  }
0xc3: {  	_ =	swait.ge [sflag:s1], $0x2000  }
0xc4: {  	[sflag:s1] =	ssyncset.done $0x0  }
0xc5: {  	s5 =	rddreg [dreg:$0x7];
	[sflag:s1] =	ssyncadd.s32 $0xFFFFE000  }
0xc6: {  	[hbm4b:s5+s2] =	stream.linear.scatter [tilespmem:s14], [sflag:$0x3], $0xA000, $0x38;
	[tilespmem:$0x14500] =	vst v63  }
0xc7: {  	_ =	swait.ge [sflag:s6], $0x2000  }
0xc8: {  	[sflag:s6] =	ssyncset.done $0x0  }
0xc9: {  	[sflag:s6] =	ssyncadd.s32 $0xFFFFE000  }
0xca: {  	_ =	swait.ge [sflag:s6], $0x2000  }
0xcb: {  	[sflag:s6] =	ssyncset.done $0x0  }
0xcc: {  	[sflag:s6] =	ssyncadd.s32 $0xFFFFE000  }
0xcd: {  	_ =	swait.ge [sflag:s6], $0x2000  }
0xce: {  	[sflag:s6] =	ssyncset.done $0x0  }
0xcf: {  	[sflag:s6] =	ssyncadd.s32 $0xFFFFE000  }
0xd0: {  	_ =	swait.ge [sflag:s6], $0x2000  }
0xd1: {  	[sflag:s6] =	ssyncset.done $0x0  }
0xd2: {  	[sflag:s6] =	ssyncadd.s32 $0xFFFFE000  }
0xd3: {  	_ =	swait.ge [sflag:s6], $0x2000  }
0xd4: {  	[sflag:s6] =	ssyncset.done $0x0  }
0xd5: {  	s10 =	rddreg [dreg:$0x8];
	[sflag:s6] =	ssyncadd.s32 $0xFFFFE000  }
0xd6: {  	[hbm4b:s10+s2] =	stream.linear.scatter [tilespmem:s23], [sflag:$0x4], $0xA000, $0x38;
	[tilespmem:$0x14500] =	vst v63  }
0xd7: {  	_ =	swait.ge [sflag:s7], $0xA000  }
0xd8: {  	[sflag:s7] =	ssyncset.done $0x0  }
0xd9: {  	[sflag:s7] =	ssyncadd.s32 $0xFFFF6000  }
0xda: {  	_ =	swait.ge [sflag:s8], $0xA000  }
0xdb: {  	s9 =	rddreg [dreg:$0xc]  }
0xdc: {  	s11 =	rddreg [dreg:$0x9];
	s9 =	sadd.s32 $0x1, s9  }
0xdd: {  	p0 =	sne.s32 s9, s11  }
.Ltmp1:
0xde: {  	_ = 	snop;
	(pc) =	sbr.rel @p0 .LBB2_1-.Ltmp1, $3  }
0xdf: {  	_ =	sdelay $0x1  }
0xe0: {  	[sflag:s8] =	ssyncset.done $0x0  }
0xe1: {  	[sflag:s8] =	ssyncadd.s32 $0xFFFF6000  }
0xe2: {  	_ =	sfence.sel $0x180000  }
0xe3: {  	[bflag:$0x0] =	sbarrier.arrive $0xFFFF  }
0xe4: {  	_ =	strace $0x90000047  }
0xe5: {  	s0 =	stileid.u32;
	[bflag:$0x2] =	sbarrier.arrive $0xFFFF  }
0xe6: {  	p0 =	sne.s32 s0, $0x0;
	s0 =	rddreg [dreg:$0x2]  }
0xe7: {  	s0 =	sadd.s32 @!p0 $0x100000, s0  }
0xe8: {  	[sflag:s0] =	ssyncadd.tile.s32 @!p0 $0x1;
	_ =	shalt  }
.Lfunc_end2:
_tile_overlayer_lowered:
.L_overlay_start_2:
0xe9: {  	(tag) =	ssettag $0x2  }
0xea: {  	s0 =	rddreg [dreg:$0x0];
	s2 =	stileid.u32  }
0xeb: {  	s1 =	rddreg [dreg:$0x1];
	p0 =	sne.s32 s2, $0x0  }
0xec: {  	s3 =	rddreg [dreg:$0x2];
	[bflag:$0x3] =	sbarrier.arrive $0xFFFF;
	s2 =	simm.s32 @!p0 $0x1C05  }
0xed: {  	[timem:s3], [sflag:s2] =	dma.local @!p0 [hbm:s0], s1  }
0xee: {  	s0 =	simm.s32 @!p0 $0x5  }
0xef: {  	_ =	swait.ge @!p0 [sflag:s0], s1  }
0xf0: {  	s1 =	ssub.s32 @!p0 $0x0, s1;
	[sflag:s0] =	ssyncset.done @!p0 $0x0  }
0xf1: {  	[sflag:s0] =	ssyncadd.s32 @!p0 s1  }
0xf2: {  	[bflag:$0x3] =	sbarrier.arrive $0xFFFF  }
0xf3: {  	_ =	shalt  }

// kernel: sparse-core-data-format-call.cloned.1.call-start
scs
called_computation_lowered:
.L_overlay_start_0:
0x0: {  	s2 =	sld [smem:$0x3FD9]  }
0x1: {  	s3 =	sld [smem:$0x3FFE];
	_ =	sdelay $0x1  }
0x2: {  	s1 =	srdreg.scid  }
0x3: {  	s0 =	sand.u32 $0x1, s1  }
0x4: {  	s18 =	sshll.u32 s0, $0xA;
	s2 =	sadd.s32 s3, s2  }
0x5: {  	s2 =	sadd.s32 s2, s18  }
0x6: {  	[smem:$0x3FC6] =	sst s2  }
0x7: {  	_ = 	snop  }
0x8: {  	s2 =	sld [smem:$0x3FD0];
	(tm) =	ssettm $0x1  }
0x9: {  	s19 =	sld [smem:$0x3FFB];
	_ =	sdelay $0x3  }
0xa: {  	_ =	strace s19  }
0xb: {  	s3 =	sld [smem:$0x3FFC];
	_ =	sdelay $0x3  }
0xc: {  	_ =	strace s3  }
0xd: {  	s3 =	sld [smem:$0x3FFD];
	_ =	sdelay $0x3  }
0xe: {  	_ =	strace s3  }
0xf: {  	_ =	strace $0x8FFFFFFF  }
0x10: {  	s20 =	sld [smem:$0x3FDB];
	_ =	sdelay $0x1  }
0x11: {  	s4 =	simm.s32 $_scs_section_size  }
0x12: {  	s5 =	simm.s32 $_size__tile_overlayer_lowered;
	s6 =	simm.s32 $_tile_overlayer_lowered  }
0x13: {  	s23 =	simm.s32 $0x1BFF;
	s22 =	sshll.u32 s6, $0x1;
	s3 =	sadd.s32 s4, s20  }
0x14: {  	s7 =	simm.s32 $0x0;
	s21 =	sshll.u32 s5, $0x1;
	s5 =	sadd.s32 s22, s3  }
0x15: {  	[timem:s7], [sflag:s23] =	dma.local [hbm:s5], s21  }
0x16: {  	_ =	swait.ge [sflag:s23], s21  }
0x17: {  	s4 =	ssub.s32 $0x0, s21;
	[sflag:s23] =	ssyncset.done $0x0  }
0x18: {  	[sflag:s23] =	ssyncadd.s32 s4;
	_ =	sdelay $0x1  }
0x19: {  	s24 =	simm.s32 $0x1B8B  }
0x1a: {  	_ =	swait.ge [sflag:s24], $0x1  }
0x1b: {  	[sflag:s24] =	ssyncset.done $0x0  }
0x1c: {  	s26 =	simm.s32 $0x1B8E;
	s25 =	sld [smem:$0x3FFE];
	[sflag:s24] =	ssyncadd.s32 $0xFFFFFFFF  }
0x1d: {  	s27 =	simm.s32 $execute0_lowered;
	[smem:$0x3FD2] =	sst s26  }
0x1e: {  	s5 =	sshll.u32 s27, $0x1;
	_ =	strace $0x80000049;
	[dreg:$0x1] =	wrdreg $0xFFFFFFFF  }
0x1f: {  	s28 =	simm.s32 $_size_execute0_lowered;
	s3 =	sadd.s32 s3, s5;
	[dreg:$0x0] =	wrdreg $0x0  }
0x20: {  	s5 =	sshll.u32 s28, $0x1;
	[dreg:$0x2] =	wrdreg s3  }
0x21: {  	[dreg:$0x3] =	wrdreg s5  }
0x22: {  	[dreg:$0x4] =	wrdreg $0xC0  }
0x23: {  	_ =	task [dreg:s7], $0x5FFFF  }
0x24: {  	[dreg:$0x1] =	wrdreg $0xFFFFFFFF  }
0x25: {  	[dreg:$0x0] =	wrdreg $0x60  }
0x26: {  	[dreg:$0x2] =	wrdreg s25  }
0x27: {  	[dreg:$0x3] =	wrdreg s2  }
0x28: {  	[dreg:$0x4] =	wrdreg $0x9  }
0x29: {  	_ =	task.clear_ibuf [dreg:s7], $0x5FFFF;
	_ =	strace $0x90000049  }
0x2a: {  	s29 =	simm.s32 $0x9;
	_ =	strace $0x8000004B  }
0x2b: {  	_ =	swait.ge [sflag:s29], $0x1  }
0x2c: {  	[sflag:s29] =	ssyncadd.s32 $0xFFFFFFFF  }
0x2d: {  	_ =	strace $0x9000004B  }
0x2e: {  	_ =	sfence  }
0x2f: {  	s30 =	sld [smem:$0x0];
	_ =	sdelay $0x2  }
0x30: {  	s31 =	sshll.u32 s1, $0xD;
	s1 =	sshrl.u32 s1, $0x2  }
0x31: {  	s3 =	sand.u32 $0x4000, s31;
	s1 =	sadd.s32 s1, s30  }
0x32: {  	s0 =	sor.u32 s3, s0;
	s1 =	sshll.u32 s1, $0x11  }
0x33: {  	s0 =	sor.u32 s1, s0  }
0x34: {  	s0 =	sadd.s32 $0x8F2B, s0  }
0x35: {  	[sflag:s0] =	ssyncadd.remote.s32 $0x1  }
0x36: {  	_ =	sfence.sel $0xFFFF  }
0x37: {  	[dreg:$0x0] =	wrdreg $0xFFFFFFFF;
	(pc) =	sbr.abs _section_cstart, $3  }
0x38: {  	[dreg:$0x1] =	wrdreg $0xFFFFFFFF  }
0x39: {  	_ =	task.clear_ibuf [dreg:s7], $0x2FFFF;
	_ =	strace $0x9FFFFFFF  }
0x3a: {  	(tm) =	ssettm $0x7FFFFFFF  }
0x3b: {  	_ =	shalt  }
tec
execute0_lowered:
.L_overlay_start_1:
0x0: {  	(tag) =	ssettag $0x1  }
0x1: {  	s0 =	srdreg.scid  }
0x2: {  	s1 =	sshll.u32 s0, $0x4  }
0x3: {  	s0 =	stileid.u32;
	s1 =	sand.u32 $0x10, s1  }
0x4: {  	s1 =	sor.u32 s0, s1  }
0x5: {  	s6 =	rddreg [dreg:$0x0];
	s4 =	simm.s32 $0x1;
	s2 =	sshll.u32 s1, $0x7  }
0x6: {  	s7 =	simm.s32 $0x2;
	s12 =	simm.s32 $0x0;
	s1 =	ssub.s32 $0x4000, s2  }
0x7: {  	s8 =	simm.s32 $0x20000;
	s13 =	simm.s32 $0x0;
	s3 =	sand.u32 $0xF80, s1  }
0x8: {  	s9 =	simm.s32 $0x0;
	s5 =	sshrl.u32 s1, $0xC;
	p0 =	sne.s32 s3, $0x0  }
.Ltmp0:
0x9: {  	s1 =	rddreg [dreg:$0x2];
	s4 =	simm.s32 @!p0 $0x0;
	(pc) =	sbr.rel .LBB1_1-.Ltmp0, $4  }
0xa: {  	s11 =	simm.s32 $0x0;
	s3 =	rddreg [dreg:$0x1];
	s5 =	sadd.s32 s4, s5  }
0xb: {  	_ =	strace $0x8000004A;
	s4 =	simm.s32 $0x1;
	s5 =	smul.u32 $0x32, s5  }
0xc: {  	s6 =	sadd.s32 $0xA00, s6;
	s10 =	smov.u32 s2;
	[sflag:s4] =	ssyncpa.u1 $0x0  }
0xd: {  	p0 =	por $0x0, $0x0;
	[sflag:s7] =	ssyncpa.u1 $0x0;
	s7 =	sor.u32 $0x1, s5  }
.LBB1_4:
0xe: {  	s16 =	sshll.u32 s13, $0x3;
	s17 =	sand.u32 $0x78, s13  }
0xf: {  	s30 =	sand.u32 $0x1F800, s13;
	s12 =	sshll.u32 s12, $0x11;
	s16 =	sand.u32 $0x3C00, s16  }
0x10: {  	[tilespmem:s15+$0x810 ss:$0x81] =	vst.msk $0xffff, v2;
	s31 =	sand.u32 $0x7, s13;
	s16 =	sor.u32 s17, s16;
	s17 =	sadd.s32 s3, s30  }
0x11: {  	[tilespmem:s15+$0x1020 ss:$0x81] =	vst.msk $0xffff, v0;
	s13 =	sshll.u32 s31, $0x12;
	s12 =	sadd.s32 s12, s17;
	s16 =	sshrl.u32 s16, $0x3  }
0x12: {  	[tilespmem:s15+$0x0 ss:$0x81] =	vst.msk $0xffff, v1;
	s13 =	sor.u32 $0x400, s13;
	s12 =	sadd.s32 s16, s12  }
0x13: {  	[hbm4b:s12+s13] =	stream.strided.scatter [tilespmem:s14], [sflag:$0x2], $0x2000, s8, s13, $0x20;
	[tilespmem:$0x8080] =	vst v63  }
.LBB1_5:
0x14: {  	s14 =	sadd.s32 $0x1, s9  }
0x15: {  	s12 =	sadd.s32 $0x1000, s10;
	s16 =	smov.u32 s10;
	p2 =	sgt.s32 s14, $0x31  }
0x16: {  	s16 =	smov.u32 @p2 s12  }
0x17: {  	s14 =	simm.s32 @p2 $0x0;
	p2 =	sgt.s32 s16, $0x3FFF  }
0x18: {  	s16 =	smov.u32 @p2 s2;
	p2 =	sne.s32 s11, s7  }
.Ltmp1:
0x19: {  	p1 =	slt.u32 s11, $0x2;
	(pc) =	sbr.rel @!p2 .LBB1_6-.Ltmp1, $4  }
0x1a: {  	s15 =	simm.s32 @!p1 $0x2  }
0x1b: {  	s13 =	smov.u32 s10;
	p0 =	por !p0, !p0;
	_ =	swait.ge @!p1 [sflag:s15], $0x2000  }
0x1c: {  	s12 =	smov.u32 s9;
	[sflag:s15] =	ssyncset.done @!p1 $0x0;
	s9 =	smov.u32 s14  }
0x1d: {  	s11 =	sadd.s32 $0x1, s11;
	[sflag:s15] =	ssyncadd.s32 @!p1 $0xFFFFE000;
	s10 =	smov.u32 s16  }
.LBB1_1:
0x1e: {  	p1 =	sge.u32 s11, s5  }
0x1f: {  	s14 =	sand.u32 @!p1 $0x1FFFFFF, s9  }
0x20: {  	s15 =	smulhi.u32 @!p1 $0x4924925, s14;
	_ =	sdelay $0x1  }
0x21: {  	s15 =	smul.u32 @!p1 $0x38, s15  }
0x22: {  	s16 =	sxor.u32 @!p1 $0xFFFFFFFF, s11;
	s17 =	smul.u32 @!p1 $0x380, s10  }
0x23: {  	s31 =	sadd.s32 $0xFFFFFFFF, s11;
	s16 =	sshll.u32 @!p1 s16, $0xD;
	s14 =	ssub.s32 @!p1 s14, s15  }
0x24: {  	s15 =	sand.u32 @!p1 $0x2000, s16;
	s16 =	sadd.s32 @!p1 s6, s17;
	s14 =	sshll.u32 @!p1 s14, $0x4  }
0x25: {  	s17 =	simm.s32 @!p1 $0x1C00;
	s14 =	sadd.s32 @!p1 s14, s16;
	s16 =	simm.s32 @!p1 $0x40  }
0x26: {  	[tilespmem:s15], [sflag:$0x1] =	stream.strided.gather @!p1 [hbm4b:s14+s16], $0x2000, s17, s16, $0x38;
	[tilespmem:$0x8080] =	vst v63  }
0x27: {  	p1 =	sge.u32 s31, s5  }
.Ltmp2:
0x28: {  	_ = 	snop;
	(pc) =	sbr.rel @p1 .LBB1_5-.Ltmp2, $1  }
0x29: {  	_ =	sdelay $0x3  }
0x2a: {  	s14 =	simm.s32 $0x1  }
0x2b: {  	_ =	swait.ge [sflag:s4], $0x2000;
	s14 =	simm.s32 @!p0 $0x0  }
0x2c: {  	[sflag:s4] =	ssyncset.done $0x0;
	s15 =	sshll.u32 s14, $0xD  }
0x2d: {  	[sflag:s4] =	ssyncadd.s32 $0xFFFFE000;
	s18 =	sor.u32 $0x20, s15  }
0x2e: {  	s14 =	smul.u32 $0x8100, s14;
	v3 =	vld [tilespmem:s18+$0x10]  }
0x2f: {  	s30 =	sand.u32 $0x1, s11;
	v2 =	vld [tilespmem:s18+$0xFFFFFFF0]  }
0x30: {  	s15 =	smul.u32 $0x8100, s30;
	s14 =	sshrl.u32 s14, $0x2;
	v0 =	vld [tilespmem:s18+$0x0]  }
0x31: {  	v1 =	vld [tilespmem:s18+$0xFFFFFFE0];
	s16 =	sor.u32 $0x4000, s14  }
0x32: {  	s31 =	sshrl.u32 s15, $0x2;
	s15 =	sadd.s32 $0x0, s16  }
0x33: {  	s17 =	simm.s32 $0x4;
	s18 =	sadd.s32 $0x40, s18;
	s14 =	sor.u32 $0x4000, s31;
	[tilespmem:s15+$0x1830 ss:$0x81] =	vst.msk $0xffff, v3  }
.LBB1_3:
0x34: {  	v3 =	vld [tilespmem:s18+$0x10];
	p1 =	sne.s32 s17, $0x1FC;
	[tilespmem:s15+$0x810 ss:$0x81] =	vst.msk $0xffff, v2;
	s19 =	smov.u32 s17;
	s17 =	sadd.s32 $0x4, s17  }
.Ltmp3:
0x35: {  	v2 =	vld [tilespmem:s18+$0xFFFFFFF0];
	[tilespmem:s15+$0x1020 ss:$0x81] =	vst.msk $0xffff, v0;
	(pc) =	sbr.rel @p1 .LBB1_3-.Ltmp3, $4  }
0x36: {  	v0 =	vld [tilespmem:s18+$0x0];
	[tilespmem:s15+$0x0 ss:$0x81] =	vst.msk $0xffff, v1  }
0x37: {  	s15 =	sshra.s32 s19, $0x2;
	v1 =	vld [tilespmem:s18+$0xFFFFFFE0]  }
0x38: {  	s15 =	sadd.s32 s15, s16  }
0x39: {  	s18 =	sadd.s32 $0x40, s18;
	[tilespmem:s15+$0x1830 ss:$0x81] =	vst.msk $0xffff, v3  }
.Ltmp4:
0x3a: {  	_ = 	snop;
	(pc) =	sbr.rel .LBB1_4-.Ltmp4, $1  }
0x3b: {  	_ =	sdelay $0x3  }
.LBB1_6:
0x3c: {  	_ =	sfence.sel $0x180000  }
0x3d: {  	s2 =	simm.s32 $0x1;
	[bflag:$0x0] =	sbarrier.arrive $0xFFFF  }
0x3e: {  	s31 =	simm.s32 $0x2;
	[sflag:s2] =	ssyncpa.u1 $0x1  }
0x3f: {  	[sflag:s31] =	ssyncpa.u1 $0x1  }
0x40: {  	p0 =	sne.s32 s0, $0x0;
	_ =	strace $0x9000004A  }
0x41: {  	s0 =	sadd.s32 @!p0 $0x100000, s1;
	[bflag:$0x2] =	sbarrier.arrive $0xFFFF  }
0x42: {  	[sflag:s0] =	ssyncadd.tile.s32 @!p0 $0x1;
	_ =	shalt  }
.Lfunc_end1:
_tile_overlayer_lowered:
.L_overlay_start_2:
0x43: {  	(tag) =	ssettag $0x2  }
0x44: {  	s0 =	rddreg [dreg:$0x0];
	s2 =	stileid.u32  }
0x45: {  	s1 =	rddreg [dreg:$0x1];
	p0 =	sne.s32 s2, $0x0  }
0x46: {  	s3 =	rddreg [dreg:$0x2];
	[bflag:$0x3] =	sbarrier.arrive $0xFFFF;
	s2 =	simm.s32 @!p0 $0x1C01  }
0x47: {  	[timem:s3], [sflag:s2] =	dma.local @!p0 [hbm:s0], s1  }
0x48: {  	s0 =	simm.s32 @!p0 $0x1  }
0x49: {  	_ =	swait.ge @!p0 [sflag:s0], s1  }
0x4a: {  	s1 =	ssub.s32 @!p0 $0x0, s1;
	[sflag:s0] =	ssyncset.done @!p0 $0x0  }
0x4b: {  	[sflag:s0] =	ssyncadd.s32 @!p0 s1  }
0x4c: {  	[bflag:$0x3] =	sbarrier.arrive $0xFFFF  }
0x4d: {  	_ =	shalt  }

</sc_bundles>
